<compile_context>
chip_gen: v7x
topology: tpu7x:2x2x1
jax: 0.10.2.dev20260603
libtpu: 0.0.44.dev20260713+nightly
codegen_flags: <defaults>
</compile_context>

<pallas_src>
import functools

import jax
import jax.numpy as jnp
from jax import lax
from jax.experimental import pallas as pl
from jax.experimental.pallas import tpu as pltpu
from jax.experimental.pallas import tpu_sc as plsc

_N = 10000
_E = 320000
_REFRACTORY = 0.33
_RELU_CLIP = 1.0
_NT = 16
_EPT = _E // _NT
_L = 16
_G = 4 * _L
_NCH = 4
_GPC = 78
_GRP = _NCH * _GPC
_CH = _GPC * _G
_TAIL = _EPT - _GRP * _G


def _log1p_newton(z):
    y = 1.0 + z
    t = z * 0.6931472
    for _ in range(4):
        t = t - 1.0 + y * jnp.exp(-t)
    return t


def _sc_kernel(state_hbm, w_hbm, src_hbm, dst_hbm, oid_hbm, bias_hbm,
               act_hbm, out_hbm,
               state_v, src_v, dst_v, w_v, row_v, oid_v, bias_v,
               act_v, sum_v, shared, hits,
               sem, sem_oid, sem_ba, semd0, semd1, semd2, semd3):
    wid = lax.axis_index("s")
    eb = wid * _EPT
    semd = [semd0, semd1, semd2, semd3]
    c_dst = [pltpu.async_copy(dst_hbm.at[pl.ds(eb + k * _CH, _CH)],
                              dst_v.at[pl.ds(k * _CH, _CH)], semd[k])
             for k in range(_NCH)]
    c_tail = pltpu.async_copy(dst_hbm.at[pl.ds(eb + _GRP * _G, _TAIL)],
                              dst_v.at[pl.ds(_GRP * _G, _TAIL)], semd3)
    c_src = pltpu.async_copy(src_hbm.at[pl.ds(eb, _EPT)], src_v, sem)
    c_w = pltpu.async_copy(w_hbm.at[pl.ds(eb, _EPT)], w_v, sem)
    c_state = pltpu.async_copy(state_hbm, state_v, sem)
    c_oid = pltpu.async_copy(oid_hbm, oid_v, sem_oid)

    @pl.when(wid == 0)
    def _():
        pltpu.async_copy(bias_hbm, bias_v, sem_ba)
        pltpu.async_copy(act_hbm, act_v, sem_ba)

    c_oid.wait()
    lane = lax.iota(jnp.int32, _L)
    o0 = plsc.load_gather(oid_v, [jnp.full((_L,), 0, jnp.int32)])
    o1 = plsc.load_gather(oid_v, [jnp.full((_L,), 1, jnp.int32)])
    o2 = plsc.load_gather(oid_v, [jnp.full((_L,), 2, jnp.int32)])
    o3 = plsc.load_gather(oid_v, [jnp.full((_L,), 3, jnp.int32)])
    lo = jnp.minimum(jnp.minimum(o0, o1), jnp.minimum(o2, o3))
    hi = jnp.maximum(jnp.maximum(o0, o1), jnp.maximum(o2, o3))
    span = lax.bitcast_convert_type(hi - lo, jnp.uint32)
    zero = jnp.zeros((_L,), jnp.float32)

    def scan_body(g, cnt):
        b = g * _G
        h = None
        for u in range(_G // _L):
            d = dst_v[pl.ds(b + u * _L, _L)]
            ud = lax.bitcast_convert_type(d - lo, jnp.uint32)
            hu = ud <= span
            h = hu if h is None else h | hu
        anyhit = jnp.any(h)

        @pl.when(anyhit)
        def _():
            hits[cnt] = g

        return cnt + anyhit.astype(jnp.int32)

    n_hits = jnp.int32(0)
    for k in range(_NCH):
        c_dst[k].wait()
        if k == _NCH - 1:
            c_tail.wait()
        n_hits = lax.fori_loop(k * _GPC, (k + 1) * _GPC, scan_body, n_hits)

    c_src.wait()
    c_w.wait()
    c_state.wait()

    def accum(args, b, d):
        a0, a1, a2, a3 = args
        s = src_v[pl.ds(b, _L)]
        w = w_v[pl.ds(b, _L)]
        m = w * plsc.load_gather(state_v, [s])
        return (a0 + jnp.where(d == o0, m, zero),
                a1 + jnp.where(d == o1, m, zero),
                a2 + jnp.where(d == o2, m, zero),
                a3 + jnp.where(d == o3, m, zero))

    def hit_body(i, carry):
        b = hits[i] * _G
        for u in range(_G // _L):
            carry = accum(carry, b + u * _L, dst_v[pl.ds(b + u * _L, _L)])
        return carry

    acc = lax.fori_loop(0, n_hits, hit_body, (zero, zero, zero, zero))
    bt = _GRP * _G
    acc = accum(acc, bt, dst_v[pl.ds(bt, _L)])
    a0, a1, a2, a3 = accum(acc, bt + _L, dst_v[pl.ds(bt + _L, _L)])

    t0, t1, t2, t3 = jnp.sum(a0), jnp.sum(a1), jnp.sum(a2), jnp.sum(a3)
    row = jnp.where(lane == 0, t0,
          jnp.where(lane == 1, t1,
          jnp.where(lane == 2, t2,
          jnp.where(lane == 3, t3, 0.0)))) * _REFRACTORY
    row_v[...] = row
    pltpu.sync_copy(row_v, shared.at[wid])
    plsc.subcore_barrier()

    @pl.when(wid == 0)
    def _():
        pltpu.make_async_copy(bias_hbm, bias_v, sem_ba).wait()
        pltpu.make_async_copy(act_hbm, act_v, sem_ba).wait()
        pltpu.sync_copy(shared, sum_v)
        x = sum_v[0, :]
        for i in range(1, _NT):
            x = x + sum_v[i, :]
        oid_vec = plsc.load_gather(oid_v, [jnp.minimum(lane, 3)])
        x = x + plsc.load_gather(state_v, [oid_vec]) * _REFRACTORY
        x = x + plsc.load_gather(bias_v, [oid_vec])
        a = plsc.load_gather(act_v, [oid_vec])
        r = x
        r = jnp.where(a == 1, jnp.maximum(x, 0.0), r)
        r = jnp.where(a == 2, jnp.where(x >= 0, x, 0.01 * x), r)
        r = jnp.where(a == 3, jnp.clip(x, 0.0, _RELU_CLIP), r)
        ez = jnp.exp(-2.0 * jnp.abs(x))
        th = (1.0 - ez) / (1.0 + ez)
        r = jnp.where(a == 4, jnp.where(x >= 0, th, -th), r)
        r = jnp.where(a == 5, 1.0 / (1.0 + jnp.exp(-x)), r)
        sp = jnp.maximum(x, 0.0) + _log1p_newton(jnp.exp(-jnp.abs(x)))
        r = jnp.where(a == 6, sp, r)
        r = jnp.where(a == 7, jnp.abs(x), r)
        row_v[...] = r
        pltpu.sync_copy(row_v, out_hbm)


_sc_call = functools.partial(
    pl.kernel,
    mesh=plsc.VectorSubcoreMesh(core_axis_name="c", subcore_axis_name="s",
                                num_cores=1),
    compiler_params=pltpu.CompilerParams(needs_layout_passes=False),
    out_type=jax.ShapeDtypeStruct((_L,), jnp.float32),
    scratch_types=[
        pltpu.VMEM((_N,), jnp.float32),
        pltpu.VMEM((_EPT,), jnp.int32),
        pltpu.VMEM((_EPT,), jnp.int32),
        pltpu.VMEM((_EPT,), jnp.float32),
        pltpu.VMEM((_L,), jnp.float32),
        pltpu.VMEM((_L,), jnp.int32),
        pltpu.VMEM((_N,), jnp.float32),
        pltpu.VMEM((_N,), jnp.int32),
        pltpu.VMEM((_NT, _L), jnp.float32),
        pltpu.VMEM_SHARED((_NT, _L), jnp.float32),
        pltpu.SMEM((_GRP + 1,), jnp.int32),
        pltpu.SemaphoreType.DMA,
        pltpu.SemaphoreType.DMA,
        pltpu.SemaphoreType.DMA,
        pltpu.SemaphoreType.DMA,
        pltpu.SemaphoreType.DMA,
        pltpu.SemaphoreType.DMA,
        pltpu.SemaphoreType.DMA,
    ],
)(_sc_kernel)


def kernel(input, state, weights, biases, src, dst, act_ids, output_ids):
    del input
    src = src.astype(jnp.int32)
    dst = dst.astype(jnp.int32)
    oid16 = jnp.concatenate(
        [output_ids.astype(jnp.int32),
         jnp.zeros((_L - output_ids.shape[0],), jnp.int32)])
    res = _sc_call(state, weights, src, dst, oid16, biases, act_ids)
    return res[:4]

# --- scband reference (transcript-rebuilt; emitter-appended) ---
"""Pipeline reference for scband-neural-network-43705587204567 (READ-ONLY COPY).

The authoritative reference and input builder live on the scoring server;
editing this copy changes nothing except your own understanding.
"""

import jax, jax.numpy as jnp
import numpy as np

N = 10000
E = 320000
N_IN = 24
N_OUT = 4
REFRACTORY = 0.33
RELU_CLIP = 1.0


def _apply_activations(x, act_ids):
    # activation ids: 0 identity, 1 relu, 2 leaky_relu, 3 clipped_relu, 4 tanh,
    # 5 sigmoid, 6 softplus, 7 abs  (matches ActivationFunctions order)
    acts = jnp.stack([
        x,
        jax.nn.relu(x),
        jax.nn.leaky_relu(x),
        jnp.clip(x, 0.0, RELU_CLIP),
        jnp.tanh(x),
        jax.nn.sigmoid(x),
        jax.nn.softplus(x),
        jnp.abs(x),
    ], axis=0)
    return jnp.take_along_axis(acts, act_ids[None, :].astype(jnp.int32), axis=0)[0]


def setup_inputs(seed: int = 0) -> dict:
    key = jax.random.key(seed)
    ks = jax.random.split(key, 8)
    inp = jax.random.normal(ks[0], (N_IN,), dtype=jnp.float32)
    state = jnp.zeros((N,), dtype=jnp.float32)  # per-neuron scalar recurrent state
    # learned parameters sized per genome: one weight per enabled connection,
    # one bias per enabled neuron (init ranges scaled to [-1, 1])
    weights = jax.random.normal(ks[1], (E,), dtype=jnp.float32)
    biases = jax.random.normal(ks[2], (N,), dtype=jnp.float32)
    src = jax.random.randint(ks[3], (E,), 0, N, dtype=jnp.int64)
    dst = jax.random.randint(ks[4], (E,), 0, N, dtype=jnp.int64)
    act_ids = jax.random.randint(ks[5], (N,), 0, 8, dtype=jnp.int32)
    output_ids = jnp.arange(N_OUT, dtype=jnp.int32)  # output-layer neuron ids
    return {"input": inp, "state": state, "weights": weights, "biases": biases,
            "src": src, "dst": dst, "act_ids": act_ids, "output_ids": output_ids}


def reference(input, state, weights, biases, src, dst, act_ids, output_ids):
    # prev_neuron_states = neuron_states.copy(); prev *= refractory_factor
    prev = state * REFRACTORY
    # for each enabled connection: neuron_states[to] += w * prev[from]
    # (is_recurrent is True for every enabled target neuron, so the edge message
    #  always reads the refractory-scaled previous state, never the raw input)
    msgs = weights * jnp.take(prev, src, axis=0)
    new_state = prev + jax.ops.segment_sum(msgs, dst, num_segments=N)
    # per-neuron bias then per-neuron activation function
    new_state = new_state + biases
    new_state = _apply_activations(new_state, act_ids)
    # output = concat of enabled output-layer neuron states
    out = jnp.take(new_state, output_ids, axis=0)
    return out

if __name__ == "__main__":
    import jax
    _d = setup_inputs()
    print(jax.jit(kernel)(*tuple(_d.values())))

</pallas_src>

<mosaic_0001>
#map = affine_map<(d0, d1) -> (0)>
module attributes {stable_mosaic.version = 14 : i64} {
  func.func @_sc_kernel(%arg0: i32, %arg1: i32, %arg2: memref<10000xf32, #tpu.memory_space<hbm>>, %arg3: memref<320000xf32, #tpu.memory_space<hbm>>, %arg4: memref<320000xi32, #tpu.memory_space<hbm>>, %arg5: memref<320000xi32, #tpu.memory_space<hbm>>, %arg6: memref<16xi32, #tpu.memory_space<hbm>>, %arg7: memref<10000xf32, #tpu.memory_space<hbm>>, %arg8: memref<10000xi32, #tpu.memory_space<hbm>>, %arg9: memref<16xf32, #tpu.memory_space<hbm>>, %arg10: memref<10000xf32, #tpu.memory_space<vmem>>, %arg11: memref<20000xi32, #tpu.memory_space<vmem>>, %arg12: memref<20000xi32, #tpu.memory_space<vmem>>, %arg13: memref<20000xf32, #tpu.memory_space<vmem>>, %arg14: memref<16xf32, #tpu.memory_space<vmem>>, %arg15: memref<16xi32, #tpu.memory_space<vmem>>, %arg16: memref<10000xf32, #tpu.memory_space<vmem>>, %arg17: memref<10000xi32, #tpu.memory_space<vmem>>, %arg18: memref<16x16xf32, #tpu.memory_space<vmem>>, %arg19: memref<16x16xf32, #tpu.memory_space<vmem_shared>>, %arg20: memref<313xi32, #tpu.memory_space<smem>>, %arg21: memref<!tpu.dma_semaphore, #tpu.memory_space<semaphore_mem>>, %arg22: memref<!tpu.dma_semaphore, #tpu.memory_space<semaphore_mem>>, %arg23: memref<!tpu.dma_semaphore, #tpu.memory_space<semaphore_mem>>, %arg24: memref<!tpu.dma_semaphore, #tpu.memory_space<semaphore_mem>>, %arg25: memref<!tpu.dma_semaphore, #tpu.memory_space<semaphore_mem>>, %arg26: memref<!tpu.dma_semaphore, #tpu.memory_space<semaphore_mem>>, %arg27: memref<!tpu.dma_semaphore, #tpu.memory_space<semaphore_mem>>) attributes {dimension_semantics = [#tpu.dimension_semantics<core_parallel>, #tpu.dimension_semantics<subcore_parallel>], iteration_bounds = array<i64: 1, 16>, scalar_prefetch = 0 : i64, scratch_operands = 18 : i64, tpu.core_type = #tpu.core_type<sc_vector_subcore>, window_params = [{transform_indices = #map}, {transform_indices = #map}, {transform_indices = #map}, {transform_indices = #map}, {transform_indices = #map}, {transform_indices = #map}, {transform_indices = #map}, {transform_indices = #map}]} {
    %mul3A = arith.constant 20000 : i32
    %mul3A_0 = arith.muli %arg1, %mul3A : i32
    %add3A = arith.constant 0 : i32
    %add3A_1 = arith.addi %mul3A_0, %add3A : i32
    %dma_start3A = arith.constant 0 : i32
    %dma_start3A_2 = tpu.memref_slice %arg12[%dma_start3A] : memref<20000xi32, #tpu.memory_space<vmem>> -> memref<4992xi32, #tpu.memory_space<vmem>>
    %dma_start3A_3 = tpu.memref_slice %arg5[%add3A_1] : memref<320000xi32, #tpu.memory_space<hbm>> -> memref<4992xi32, #tpu.memory_space<hbm>>
    %dma_start3A_4 = arith.constant 0 : i32
    %dma_start3A_5 = tpu.memref_slice %arg12[%dma_start3A_4] : memref<20000xi32, #tpu.memory_space<vmem>> -> memref<4992xi32, #tpu.memory_space<vmem>>
    %dma_start3A_6 = tpu.memref_slice %arg5[%add3A_1] : memref<320000xi32, #tpu.memory_space<hbm>> -> memref<4992xi32, #tpu.memory_space<hbm>>
    tpu.enqueue_dma source(%dma_start3A_6 : memref<4992xi32, #tpu.memory_space<hbm>>) target(%dma_start3A_5 : memref<4992xi32, #tpu.memory_space<vmem>>) target_semaphore(%arg24 : memref<!tpu.dma_semaphore, #tpu.memory_space<semaphore_mem>>)
    %add3A_7 = arith.constant 4992 : i32
    %add3A_8 = arith.addi %mul3A_0, %add3A_7 : i32
    %dma_start3A_9 = arith.constant 4992 : i32
    %dma_start3A_10 = tpu.memref_slice %arg12[%dma_start3A_9] : memref<20000xi32, #tpu.memory_space<vmem>> -> memref<4992xi32, #tpu.memory_space<vmem>>
    %dma_start3A_11 = tpu.memref_slice %arg5[%add3A_8] : memref<320000xi32, #tpu.memory_space<hbm>> -> memref<4992xi32, #tpu.memory_space<hbm>>
    %dma_start3A_12 = arith.constant 4992 : i32
    %dma_start3A_13 = tpu.memref_slice %arg12[%dma_start3A_12] : memref<20000xi32, #tpu.memory_space<vmem>> -> memref<4992xi32, #tpu.memory_space<vmem>>
    %dma_start3A_14 = tpu.memref_slice %arg5[%add3A_8] : memref<320000xi32, #tpu.memory_space<hbm>> -> memref<4992xi32, #tpu.memory_space<hbm>>
    tpu.enqueue_dma source(%dma_start3A_14 : memref<4992xi32, #tpu.memory_space<hbm>>) target(%dma_start3A_13 : memref<4992xi32, #tpu.memory_space<vmem>>) target_semaphore(%arg25 : memref<!tpu.dma_semaphore, #tpu.memory_space<semaphore_mem>>)
    %add3A_15 = arith.constant 9984 : i32
    %add3A_16 = arith.addi %mul3A_0, %add3A_15 : i32
    %dma_start3A_17 = arith.constant 9984 : i32
    %dma_start3A_18 = tpu.memref_slice %arg12[%dma_start3A_17] : memref<20000xi32, #tpu.memory_space<vmem>> -> memref<4992xi32, #tpu.memory_space<vmem>>
    %dma_start3A_19 = tpu.memref_slice %arg5[%add3A_16] : memref<320000xi32, #tpu.memory_space<hbm>> -> memref<4992xi32, #tpu.memory_space<hbm>>
    %dma_start3A_20 = arith.constant 9984 : i32
    %dma_start3A_21 = tpu.memref_slice %arg12[%dma_start3A_20] : memref<20000xi32, #tpu.memory_space<vmem>> -> memref<4992xi32, #tpu.memory_space<vmem>>
    %dma_start3A_22 = tpu.memref_slice %arg5[%add3A_16] : memref<320000xi32, #tpu.memory_space<hbm>> -> memref<4992xi32, #tpu.memory_space<hbm>>
    tpu.enqueue_dma source(%dma_start3A_22 : memref<4992xi32, #tpu.memory_space<hbm>>) target(%dma_start3A_21 : memref<4992xi32, #tpu.memory_space<vmem>>) target_semaphore(%arg26 : memref<!tpu.dma_semaphore, #tpu.memory_space<semaphore_mem>>)
    %add3A_23 = arith.constant 14976 : i32
    %add3A_24 = arith.addi %mul3A_0, %add3A_23 : i32
    %dma_start3A_25 = arith.constant 14976 : i32
    %dma_start3A_26 = tpu.memref_slice %arg12[%dma_start3A_25] : memref<20000xi32, #tpu.memory_space<vmem>> -> memref<4992xi32, #tpu.memory_space<vmem>>
    %dma_start3A_27 = tpu.memref_slice %arg5[%add3A_24] : memref<320000xi32, #tpu.memory_space<hbm>> -> memref<4992xi32, #tpu.memory_space<hbm>>
    %dma_start3A_28 = arith.constant 14976 : i32
    %dma_start3A_29 = tpu.memref_slice %arg12[%dma_start3A_28] : memref<20000xi32, #tpu.memory_space<vmem>> -> memref<4992xi32, #tpu.memory_space<vmem>>
    %dma_start3A_30 = tpu.memref_slice %arg5[%add3A_24] : memref<320000xi32, #tpu.memory_space<hbm>> -> memref<4992xi32, #tpu.memory_space<hbm>>
    tpu.enqueue_dma source(%dma_start3A_30 : memref<4992xi32, #tpu.memory_space<hbm>>) target(%dma_start3A_29 : memref<4992xi32, #tpu.memory_space<vmem>>) target_semaphore(%arg27 : memref<!tpu.dma_semaphore, #tpu.memory_space<semaphore_mem>>)
    %add3A_31 = arith.constant 19968 : i32
    %add3A_32 = arith.addi %mul3A_0, %add3A_31 : i32
    %dma_start3A_33 = arith.constant 19968 : i32
    %dma_start3A_34 = tpu.memref_slice %arg12[%dma_start3A_33] : memref<20000xi32, #tpu.memory_space<vmem>> -> memref<32xi32, #tpu.memory_space<vmem>>
    %dma_start3A_35 = tpu.memref_slice %arg5[%add3A_32] : memref<320000xi32, #tpu.memory_space<hbm>> -> memref<32xi32, #tpu.memory_space<hbm>>
    %dma_start3A_36 = arith.constant 19968 : i32
    %dma_start3A_37 = tpu.memref_slice %arg12[%dma_start3A_36] : memref<20000xi32, #tpu.memory_space<vmem>> -> memref<32xi32, #tpu.memory_space<vmem>>
    %dma_start3A_38 = tpu.memref_slice %arg5[%add3A_32] : memref<320000xi32, #tpu.memory_space<hbm>> -> memref<32xi32, #tpu.memory_space<hbm>>
    tpu.enqueue_dma source(%dma_start3A_38 : memref<32xi32, #tpu.memory_space<hbm>>) target(%dma_start3A_37 : memref<32xi32, #tpu.memory_space<vmem>>) target_semaphore(%arg27 : memref<!tpu.dma_semaphore, #tpu.memory_space<semaphore_mem>>)
    %dma_start3A_39 = tpu.memref_slice %arg4[%mul3A_0] : memref<320000xi32, #tpu.memory_space<hbm>> -> memref<20000xi32, #tpu.memory_space<hbm>>
    %dma_start3A_40 = tpu.memref_slice %arg4[%mul3A_0] : memref<320000xi32, #tpu.memory_space<hbm>> -> memref<20000xi32, #tpu.memory_space<hbm>>
    tpu.enqueue_dma source(%dma_start3A_40 : memref<20000xi32, #tpu.memory_space<hbm>>) target(%arg11 : memref<20000xi32, #tpu.memory_space<vmem>>) target_semaphore(%arg21 : memref<!tpu.dma_semaphore, #tpu.memory_space<semaphore_mem>>)
    %dma_start3A_41 = tpu.memref_slice %arg3[%mul3A_0] : memref<320000xf32, #tpu.memory_space<hbm>> -> memref<20000xf32, #tpu.memory_space<hbm>>
    %dma_start3A_42 = tpu.memref_slice %arg3[%mul3A_0] : memref<320000xf32, #tpu.memory_space<hbm>> -> memref<20000xf32, #tpu.memory_space<hbm>>
    tpu.enqueue_dma source(%dma_start3A_42 : memref<20000xf32, #tpu.memory_space<hbm>>) target(%arg13 : memref<20000xf32, #tpu.memory_space<vmem>>) target_semaphore(%arg21 : memref<!tpu.dma_semaphore, #tpu.memory_space<semaphore_mem>>)
    tpu.enqueue_dma source(%arg2 : memref<10000xf32, #tpu.memory_space<hbm>>) target(%arg10 : memref<10000xf32, #tpu.memory_space<vmem>>) target_semaphore(%arg21 : memref<!tpu.dma_semaphore, #tpu.memory_space<semaphore_mem>>)
    tpu.enqueue_dma source(%arg6 : memref<16xi32, #tpu.memory_space<hbm>>) target(%arg15 : memref<16xi32, #tpu.memory_space<vmem>>) target_semaphore(%arg22 : memref<!tpu.dma_semaphore, #tpu.memory_space<semaphore_mem>>)
    %eq3A = arith.constant 0 : i32
    %eq3A_43 = arith.cmpi eq, %arg1, %eq3A : i32
    %convert_element_type3A = arith.extui %eq3A_43 : i1 to i32
    %cond3A = arith.constant 0 : i32
    %cond3A_44 = arith.cmpi ne, %convert_element_type3A, %cond3A : i32
    scf.if %cond3A_44 {
      tpu.enqueue_dma source(%arg7 : memref<10000xf32, #tpu.memory_space<hbm>>) target(%arg16 : memref<10000xf32, #tpu.memory_space<vmem>>) target_semaphore(%arg23 : memref<!tpu.dma_semaphore, #tpu.memory_space<semaphore_mem>>)
      tpu.enqueue_dma source(%arg8 : memref<10000xi32, #tpu.memory_space<hbm>>) target(%arg17 : memref<10000xi32, #tpu.memory_space<vmem>>) target_semaphore(%arg23 : memref<!tpu.dma_semaphore, #tpu.memory_space<semaphore_mem>>)
    } else {
    }
    tpu.wait_dma2 semaphore(%arg22 : memref<!tpu.dma_semaphore, #tpu.memory_space<semaphore_mem>>) src(%arg6 : memref<16xi32, #tpu.memory_space<hbm>>) dst(%arg15 : memref<16xi32, #tpu.memory_space<vmem>>)
    %iota3A = tpu.iota {dimensions = array<i32: 0>} : vector<16xi32>
    %broadcast_in_dim3A = arith.constant 0 : i32
    %broadcast_in_dim3A_45 = vector.broadcast %broadcast_in_dim3A : i32 to vector<16xi32>
    %gather3A = tpu.vector_load_idx %arg15[%broadcast_in_dim3A_45] : memref<16xi32, #tpu.memory_space<vmem>>[vector<16xi32>], vector<16xi32>,
    %broadcast_in_dim3A_46 = arith.constant 1 : i32
    %broadcast_in_dim3A_47 = vector.broadcast %broadcast_in_dim3A_46 : i32 to vector<16xi32>
    %gather3A_48 = tpu.vector_load_idx %arg15[%broadcast_in_dim3A_47] : memref<16xi32, #tpu.memory_space<vmem>>[vector<16xi32>], vector<16xi32>,
    %broadcast_in_dim3A_49 = arith.constant 2 : i32
    %broadcast_in_dim3A_50 = vector.broadcast %broadcast_in_dim3A_49 : i32 to vector<16xi32>
    %gather3A_51 = tpu.vector_load_idx %arg15[%broadcast_in_dim3A_50] : memref<16xi32, #tpu.memory_space<vmem>>[vector<16xi32>], vector<16xi32>,
    %broadcast_in_dim3A_52 = arith.constant 3 : i32
    %broadcast_in_dim3A_53 = vector.broadcast %broadcast_in_dim3A_52 : i32 to vector<16xi32>
    %gather3A_54 = tpu.vector_load_idx %arg15[%broadcast_in_dim3A_53] : memref<16xi32, #tpu.memory_space<vmem>>[vector<16xi32>], vector<16xi32>,
    %min3A = arith.minsi %gather3A, %gather3A_48 : vector<16xi32>
    %min3A_55 = arith.minsi %gather3A_51, %gather3A_54 : vector<16xi32>
    %min3A_56 = arith.minsi %min3A, %min3A_55 : vector<16xi32>
    %max3A = arith.maxsi %gather3A, %gather3A_48 : vector<16xi32>
    %max3A_57 = arith.maxsi %gather3A_51, %gather3A_54 : vector<16xi32>
    %max3A_58 = arith.maxsi %max3A, %max3A_57 : vector<16xi32>
    %sub3A = arith.subi %max3A_58, %min3A_56 : vector<16xi32>
    %bitcast_convert_type3A = tpu.bitcast %sub3A : vector<16xi32> -> vector<16xi32>
    %broadcast_in_dim3A_59 = arith.constant 0.000000e+00 : f32
    %broadcast_in_dim3A_60 = vector.broadcast %broadcast_in_dim3A_59 : f32 to vector<16xf32>
    %dma_wait3A = arith.constant 0 : i32
    %dma_wait3A_61 = tpu.memref_slice %arg12[%dma_wait3A] : memref<20000xi32, #tpu.memory_space<vmem>> -> memref<4992xi32, #tpu.memory_space<vmem>>
    %dma_wait3A_62 = tpu.memref_slice %arg5[%add3A_1] : memref<320000xi32, #tpu.memory_space<hbm>> -> memref<4992xi32, #tpu.memory_space<hbm>>
    %dma_wait3A_63 = arith.constant 0 : i32
    %dma_wait3A_64 = tpu.memref_slice %arg12[%dma_wait3A_63] : memref<20000xi32, #tpu.memory_space<vmem>> -> memref<4992xi32, #tpu.memory_space<vmem>>
    %dma_wait3A_65 = tpu.memref_slice %arg5[%add3A_1] : memref<320000xi32, #tpu.memory_space<hbm>> -> memref<4992xi32, #tpu.memory_space<hbm>>
    tpu.wait_dma2 semaphore(%arg24 : memref<!tpu.dma_semaphore, #tpu.memory_space<semaphore_mem>>) src(%dma_wait3A_65 : memref<4992xi32, #tpu.memory_space<hbm>>) dst(%dma_wait3A_64 : memref<4992xi32, #tpu.memory_space<vmem>>)
    %scan3A = arith.constant 0 : i32
    %scan3A_66 = arith.constant 0 : i32
    %scan3A_67 = arith.constant 78 : i32
    %scan3A_68 = arith.addi %scan3A_66, %scan3A_67 : i32
    %scan3A_69 = arith.constant 1 : i32
    %scan3A_70 = scf.for %scan3A_211 = %scan3A_66 to %scan3A_68 step %scan3A_69 iter_args(%scan3A_212 = %scan3A) -> (i32)  : i32 {
      %mul3A_213 = arith.constant 64 : i32
      %mul3A_214 = arith.muli %scan3A_211, %mul3A_213 : i32
      %add3A_215 = arith.constant 0 : i32
      %add3A_216 = arith.addi %mul3A_214, %add3A_215 : i32
      %get3A_217 = arith.index_cast %add3A_216 : i32 to index
      %get3A_218 = tpu.vector_load %arg12[%get3A_217] {strides = array<i32>} : memref<20000xi32, #tpu.memory_space<vmem>>, vector<16xi32>,
      %sub3A_219 = arith.subi %get3A_218, %min3A_56 : vector<16xi32>
      %bitcast_convert_type3A_220 = tpu.bitcast %sub3A_219 : vector<16xi32> -> vector<16xi32>
      %le3A = arith.cmpi ule, %bitcast_convert_type3A_220, %bitcast_convert_type3A : vector<16xi32>
      %add3A_221 = arith.constant 16 : i32
      %add3A_222 = arith.addi %mul3A_214, %add3A_221 : i32
      %get3A_223 = arith.index_cast %add3A_222 : i32 to index
      %get3A_224 = tpu.vector_load %arg12[%get3A_223] {strides = array<i32>} : memref<20000xi32, #tpu.memory_space<vmem>>, vector<16xi32>,
      %sub3A_225 = arith.subi %get3A_224, %min3A_56 : vector<16xi32>
      %bitcast_convert_type3A_226 = tpu.bitcast %sub3A_225 : vector<16xi32> -> vector<16xi32>
      %le3A_227 = arith.cmpi ule, %bitcast_convert_type3A_226, %bitcast_convert_type3A : vector<16xi32>
      %or3A = arith.ori %le3A, %le3A_227 : vector<16xi1>
      %add3A_228 = arith.constant 32 : i32
      %add3A_229 = arith.addi %mul3A_214, %add3A_228 : i32
      %get3A_230 = arith.index_cast %add3A_229 : i32 to index
      %get3A_231 = tpu.vector_load %arg12[%get3A_230] {strides = array<i32>} : memref<20000xi32, #tpu.memory_space<vmem>>, vector<16xi32>,
      %sub3A_232 = arith.subi %get3A_231, %min3A_56 : vector<16xi32>
      %bitcast_convert_type3A_233 = tpu.bitcast %sub3A_232 : vector<16xi32> -> vector<16xi32>
      %le3A_234 = arith.cmpi ule, %bitcast_convert_type3A_233, %bitcast_convert_type3A : vector<16xi32>
      %or3A_235 = arith.ori %or3A, %le3A_234 : vector<16xi1>
      %add3A_236 = arith.constant 48 : i32
      %add3A_237 = arith.addi %mul3A_214, %add3A_236 : i32
      %get3A_238 = arith.index_cast %add3A_237 : i32 to index
      %get3A_239 = tpu.vector_load %arg12[%get3A_238] {strides = array<i32>} : memref<20000xi32, #tpu.memory_space<vmem>>, vector<16xi32>,
      %sub3A_240 = arith.subi %get3A_239, %min3A_56 : vector<16xi32>
      %bitcast_convert_type3A_241 = tpu.bitcast %sub3A_240 : vector<16xi32> -> vector<16xi32>
      %le3A_242 = arith.cmpi ule, %bitcast_convert_type3A_241, %bitcast_convert_type3A : vector<16xi32>
      %or3A_243 = arith.ori %or3A_235, %le3A_242 : vector<16xi1>
      %reduce_or3A = arith.constant 1.000000e+00 : f32
      %reduce_or3A_244 = arith.constant 0.000000e+00 : f32
      %reduce_or3A_245 = vector.broadcast %reduce_or3A : f32 to vector<16xf32>
      %reduce_or3A_246 = vector.broadcast %reduce_or3A_244 : f32 to vector<16xf32>
      %reduce_or3A_247 = arith.select %or3A_243, %reduce_or3A_245, %reduce_or3A_246 : vector<16xi1>, vector<16xf32>
      %reduce_or3A_248 = arith.constant true
      %reduce_or3A_249 = vector.broadcast %reduce_or3A_248 : i1 to vector<16xi1>
      %reduce_or3A_250 = tpu.scan <max>, %reduce_or3A_247 masked %reduce_or3A_249 : vector<16xf32>, vector<16xi1> -> vector<16xf32>
      %reduce_or3A_251 = vector.extract %reduce_or3A_250[15] : f32 from vector<16xf32>
      %reduce_or3A_252 = arith.constant 0.000000e+00 : f32
      %reduce_or3A_253 = arith.cmpf ogt, %reduce_or3A_251, %reduce_or3A_252 : f32
      %convert_element_type3A_254 = arith.extui %reduce_or3A_253 : i1 to i32
      %cond3A_255 = arith.constant 0 : i32
      %cond3A_256 = arith.cmpi ne, %convert_element_type3A_254, %cond3A_255 : i32
      scf.if %cond3A_256 {
        %swap3A_259 = arith.index_cast %scan3A_212 : i32 to index
        %swap3A_260 = memref.load %arg20[%swap3A_259] : memref<313xi32, #tpu.memory_space<smem>>
        memref.store %scan3A_211, %arg20[%swap3A_259] : memref<313xi32, #tpu.memory_space<smem>>
      } else {
      }
      %convert_element_type3A_257 = arith.extui %reduce_or3A_253 : i1 to i32
      %add3A_258 = arith.addi %scan3A_212, %convert_element_type3A_257 : i32
      scf.yield %add3A_258 : i32
    }
    %scan3A_71 = arith.constant 78 : i32
    %dma_wait3A_72 = arith.constant 4992 : i32
    %dma_wait3A_73 = tpu.memref_slice %arg12[%dma_wait3A_72] : memref<20000xi32, #tpu.memory_space<vmem>> -> memref<4992xi32, #tpu.memory_space<vmem>>
    %dma_wait3A_74 = tpu.memref_slice %arg5[%add3A_8] : memref<320000xi32, #tpu.memory_space<hbm>> -> memref<4992xi32, #tpu.memory_space<hbm>>
    %dma_wait3A_75 = arith.constant 4992 : i32
    %dma_wait3A_76 = tpu.memref_slice %arg12[%dma_wait3A_75] : memref<20000xi32, #tpu.memory_space<vmem>> -> memref<4992xi32, #tpu.memory_space<vmem>>
    %dma_wait3A_77 = tpu.memref_slice %arg5[%add3A_8] : memref<320000xi32, #tpu.memory_space<hbm>> -> memref<4992xi32, #tpu.memory_space<hbm>>
    tpu.wait_dma2 semaphore(%arg25 : memref<!tpu.dma_semaphore, #tpu.memory_space<semaphore_mem>>) src(%dma_wait3A_77 : memref<4992xi32, #tpu.memory_space<hbm>>) dst(%dma_wait3A_76 : memref<4992xi32, #tpu.memory_space<vmem>>)
    %scan3A_78 = arith.constant 78 : i32
    %scan3A_79 = arith.constant 78 : i32
    %scan3A_80 = arith.addi %scan3A_78, %scan3A_79 : i32
    %scan3A_81 = arith.constant 1 : i32
    %scan3A_82 = scf.for %scan3A_211 = %scan3A_78 to %scan3A_80 step %scan3A_81 iter_args(%scan3A_212 = %scan3A_70) -> (i32)  : i32 {
      %mul3A_213 = arith.constant 64 : i32
      %mul3A_214 = arith.muli %scan3A_211, %mul3A_213 : i32
      %add3A_215 = arith.constant 0 : i32
      %add3A_216 = arith.addi %mul3A_214, %add3A_215 : i32
      %get3A_217 = arith.index_cast %add3A_216 : i32 to index
      %get3A_218 = tpu.vector_load %arg12[%get3A_217] {strides = array<i32>} : memref<20000xi32, #tpu.memory_space<vmem>>, vector<16xi32>,
      %sub3A_219 = arith.subi %get3A_218, %min3A_56 : vector<16xi32>
      %bitcast_convert_type3A_220 = tpu.bitcast %sub3A_219 : vector<16xi32> -> vector<16xi32>
      %le3A = arith.cmpi ule, %bitcast_convert_type3A_220, %bitcast_convert_type3A : vector<16xi32>
      %add3A_221 = arith.constant 16 : i32
      %add3A_222 = arith.addi %mul3A_214, %add3A_221 : i32
      %get3A_223 = arith.index_cast %add3A_222 : i32 to index
      %get3A_224 = tpu.vector_load %arg12[%get3A_223] {strides = array<i32>} : memref<20000xi32, #tpu.memory_space<vmem>>, vector<16xi32>,
      %sub3A_225 = arith.subi %get3A_224, %min3A_56 : vector<16xi32>
      %bitcast_convert_type3A_226 = tpu.bitcast %sub3A_225 : vector<16xi32> -> vector<16xi32>
      %le3A_227 = arith.cmpi ule, %bitcast_convert_type3A_226, %bitcast_convert_type3A : vector<16xi32>
      %or3A = arith.ori %le3A, %le3A_227 : vector<16xi1>
      %add3A_228 = arith.constant 32 : i32
      %add3A_229 = arith.addi %mul3A_214, %add3A_228 : i32
      %get3A_230 = arith.index_cast %add3A_229 : i32 to index
      %get3A_231 = tpu.vector_load %arg12[%get3A_230] {strides = array<i32>} : memref<20000xi32, #tpu.memory_space<vmem>>, vector<16xi32>,
      %sub3A_232 = arith.subi %get3A_231, %min3A_56 : vector<16xi32>
      %bitcast_convert_type3A_233 = tpu.bitcast %sub3A_232 : vector<16xi32> -> vector<16xi32>
      %le3A_234 = arith.cmpi ule, %bitcast_convert_type3A_233, %bitcast_convert_type3A : vector<16xi32>
      %or3A_235 = arith.ori %or3A, %le3A_234 : vector<16xi1>
      %add3A_236 = arith.constant 48 : i32
      %add3A_237 = arith.addi %mul3A_214, %add3A_236 : i32
      %get3A_238 = arith.index_cast %add3A_237 : i32 to index
      %get3A_239 = tpu.vector_load %arg12[%get3A_238] {strides = array<i32>} : memref<20000xi32, #tpu.memory_space<vmem>>, vector<16xi32>,
      %sub3A_240 = arith.subi %get3A_239, %min3A_56 : vector<16xi32>
      %bitcast_convert_type3A_241 = tpu.bitcast %sub3A_240 : vector<16xi32> -> vector<16xi32>
      %le3A_242 = arith.cmpi ule, %bitcast_convert_type3A_241, %bitcast_convert_type3A : vector<16xi32>
      %or3A_243 = arith.ori %or3A_235, %le3A_242 : vector<16xi1>
      %reduce_or3A = arith.constant 1.000000e+00 : f32
      %reduce_or3A_244 = arith.constant 0.000000e+00 : f32
      %reduce_or3A_245 = vector.broadcast %reduce_or3A : f32 to vector<16xf32>
      %reduce_or3A_246 = vector.broadcast %reduce_or3A_244 : f32 to vector<16xf32>
      %reduce_or3A_247 = arith.select %or3A_243, %reduce_or3A_245, %reduce_or3A_246 : vector<16xi1>, vector<16xf32>
      %reduce_or3A_248 = arith.constant true
      %reduce_or3A_249 = vector.broadcast %reduce_or3A_248 : i1 to vector<16xi1>
      %reduce_or3A_250 = tpu.scan <max>, %reduce_or3A_247 masked %reduce_or3A_249 : vector<16xf32>, vector<16xi1> -> vector<16xf32>
      %reduce_or3A_251 = vector.extract %reduce_or3A_250[15] : f32 from vector<16xf32>
      %reduce_or3A_252 = arith.constant 0.000000e+00 : f32
      %reduce_or3A_253 = arith.cmpf ogt, %reduce_or3A_251, %reduce_or3A_252 : f32
      %convert_element_type3A_254 = arith.extui %reduce_or3A_253 : i1 to i32
      %cond3A_255 = arith.constant 0 : i32
      %cond3A_256 = arith.cmpi ne, %convert_element_type3A_254, %cond3A_255 : i32
      scf.if %cond3A_256 {
        %swap3A_259 = arith.index_cast %scan3A_212 : i32 to index
        %swap3A_260 = memref.load %arg20[%swap3A_259] : memref<313xi32, #tpu.memory_space<smem>>
        memref.store %scan3A_211, %arg20[%swap3A_259] : memref<313xi32, #tpu.memory_space<smem>>
      } else {
      }
      %convert_element_type3A_257 = arith.extui %reduce_or3A_253 : i1 to i32
      %add3A_258 = arith.addi %scan3A_212, %convert_element_type3A_257 : i32
      scf.yield %add3A_258 : i32
    }
    %scan3A_83 = arith.constant 78 : i32
    %dma_wait3A_84 = arith.constant 9984 : i32
    %dma_wait3A_85 = tpu.memref_slice %arg12[%dma_wait3A_84] : memref<20000xi32, #tpu.memory_space<vmem>> -> memref<4992xi32, #tpu.memory_space<vmem>>
    %dma_wait3A_86 = tpu.memref_slice %arg5[%add3A_16] : memref<320000xi32, #tpu.memory_space<hbm>> -> memref<4992xi32, #tpu.memory_space<hbm>>
    %dma_wait3A_87 = arith.constant 9984 : i32
    %dma_wait3A_88 = tpu.memref_slice %arg12[%dma_wait3A_87] : memref<20000xi32, #tpu.memory_space<vmem>> -> memref<4992xi32, #tpu.memory_space<vmem>>
    %dma_wait3A_89 = tpu.memref_slice %arg5[%add3A_16] : memref<320000xi32, #tpu.memory_space<hbm>> -> memref<4992xi32, #tpu.memory_space<hbm>>
    tpu.wait_dma2 semaphore(%arg26 : memref<!tpu.dma_semaphore, #tpu.memory_space<semaphore_mem>>) src(%dma_wait3A_89 : memref<4992xi32, #tpu.memory_space<hbm>>) dst(%dma_wait3A_88 : memref<4992xi32, #tpu.memory_space<vmem>>)
    %scan3A_90 = arith.constant 156 : i32
    %scan3A_91 = arith.constant 78 : i32
    %scan3A_92 = arith.addi %scan3A_90, %scan3A_91 : i32
    %scan3A_93 = arith.constant 1 : i32
    %scan3A_94 = scf.for %scan3A_211 = %scan3A_90 to %scan3A_92 step %scan3A_93 iter_args(%scan3A_212 = %scan3A_82) -> (i32)  : i32 {
      %mul3A_213 = arith.constant 64 : i32
      %mul3A_214 = arith.muli %scan3A_211, %mul3A_213 : i32
      %add3A_215 = arith.constant 0 : i32
      %add3A_216 = arith.addi %mul3A_214, %add3A_215 : i32
      %get3A_217 = arith.index_cast %add3A_216 : i32 to index
      %get3A_218 = tpu.vector_load %arg12[%get3A_217] {strides = array<i32>} : memref<20000xi32, #tpu.memory_space<vmem>>, vector<16xi32>,
      %sub3A_219 = arith.subi %get3A_218, %min3A_56 : vector<16xi32>
      %bitcast_convert_type3A_220 = tpu.bitcast %sub3A_219 : vector<16xi32> -> vector<16xi32>
      %le3A = arith.cmpi ule, %bitcast_convert_type3A_220, %bitcast_convert_type3A : vector<16xi32>
      %add3A_221 = arith.constant 16 : i32
      %add3A_222 = arith.addi %mul3A_214, %add3A_221 : i32
      %get3A_223 = arith.index_cast %add3A_222 : i32 to index
      %get3A_224 = tpu.vector_load %arg12[%get3A_223] {strides = array<i32>} : memref<20000xi32, #tpu.memory_space<vmem>>, vector<16xi32>,
      %sub3A_225 = arith.subi %get3A_224, %min3A_56 : vector<16xi32>
      %bitcast_convert_type3A_226 = tpu.bitcast %sub3A_225 : vector<16xi32> -> vector<16xi32>
      %le3A_227 = arith.cmpi ule, %bitcast_convert_type3A_226, %bitcast_convert_type3A : vector<16xi32>
      %or3A = arith.ori %le3A, %le3A_227 : vector<16xi1>
      %add3A_228 = arith.constant 32 : i32
      %add3A_229 = arith.addi %mul3A_214, %add3A_228 : i32
      %get3A_230 = arith.index_cast %add3A_229 : i32 to index
      %get3A_231 = tpu.vector_load %arg12[%get3A_230] {strides = array<i32>} : memref<20000xi32, #tpu.memory_space<vmem>>, vector<16xi32>,
      %sub3A_232 = arith.subi %get3A_231, %min3A_56 : vector<16xi32>
      %bitcast_convert_type3A_233 = tpu.bitcast %sub3A_232 : vector<16xi32> -> vector<16xi32>
      %le3A_234 = arith.cmpi ule, %bitcast_convert_type3A_233, %bitcast_convert_type3A : vector<16xi32>
      %or3A_235 = arith.ori %or3A, %le3A_234 : vector<16xi1>
      %add3A_236 = arith.constant 48 : i32
      %add3A_237 = arith.addi %mul3A_214, %add3A_236 : i32
      %get3A_238 = arith.index_cast %add3A_237 : i32 to index
      %get3A_239 = tpu.vector_load %arg12[%get3A_238] {strides = array<i32>} : memref<20000xi32, #tpu.memory_space<vmem>>, vector<16xi32>,
      %sub3A_240 = arith.subi %get3A_239, %min3A_56 : vector<16xi32>
      %bitcast_convert_type3A_241 = tpu.bitcast %sub3A_240 : vector<16xi32> -> vector<16xi32>
      %le3A_242 = arith.cmpi ule, %bitcast_convert_type3A_241, %bitcast_convert_type3A : vector<16xi32>
      %or3A_243 = arith.ori %or3A_235, %le3A_242 : vector<16xi1>
      %reduce_or3A = arith.constant 1.000000e+00 : f32
      %reduce_or3A_244 = arith.constant 0.000000e+00 : f32
      %reduce_or3A_245 = vector.broadcast %reduce_or3A : f32 to vector<16xf32>
      %reduce_or3A_246 = vector.broadcast %reduce_or3A_244 : f32 to vector<16xf32>
      %reduce_or3A_247 = arith.select %or3A_243, %reduce_or3A_245, %reduce_or3A_246 : vector<16xi1>, vector<16xf32>
      %reduce_or3A_248 = arith.constant true
      %reduce_or3A_249 = vector.broadcast %reduce_or3A_248 : i1 to vector<16xi1>
      %reduce_or3A_250 = tpu.scan <max>, %reduce_or3A_247 masked %reduce_or3A_249 : vector<16xf32>, vector<16xi1> -> vector<16xf32>
      %reduce_or3A_251 = vector.extract %reduce_or3A_250[15] : f32 from vector<16xf32>
      %reduce_or3A_252 = arith.constant 0.000000e+00 : f32
      %reduce_or3A_253 = arith.cmpf ogt, %reduce_or3A_251, %reduce_or3A_252 : f32
      %convert_element_type3A_254 = arith.extui %reduce_or3A_253 : i1 to i32
      %cond3A_255 = arith.constant 0 : i32
      %cond3A_256 = arith.cmpi ne, %convert_element_type3A_254, %cond3A_255 : i32
      scf.if %cond3A_256 {
        %swap3A_259 = arith.index_cast %scan3A_212 : i32 to index
        %swap3A_260 = memref.load %arg20[%swap3A_259] : memref<313xi32, #tpu.memory_space<smem>>
        memref.store %scan3A_211, %arg20[%swap3A_259] : memref<313xi32, #tpu.memory_space<smem>>
      } else {
      }
      %convert_element_type3A_257 = arith.extui %reduce_or3A_253 : i1 to i32
      %add3A_258 = arith.addi %scan3A_212, %convert_element_type3A_257 : i32
      scf.yield %add3A_258 : i32
    }
    %scan3A_95 = arith.constant 78 : i32
    %dma_wait3A_96 = arith.constant 14976 : i32
    %dma_wait3A_97 = tpu.memref_slice %arg12[%dma_wait3A_96] : memref<20000xi32, #tpu.memory_space<vmem>> -> memref<4992xi32, #tpu.memory_space<vmem>>
    %dma_wait3A_98 = tpu.memref_slice %arg5[%add3A_24] : memref<320000xi32, #tpu.memory_space<hbm>> -> memref<4992xi32, #tpu.memory_space<hbm>>
    %dma_wait3A_99 = arith.constant 14976 : i32
    %dma_wait3A_100 = tpu.memref_slice %arg12[%dma_wait3A_99] : memref<20000xi32, #tpu.memory_space<vmem>> -> memref<4992xi32, #tpu.memory_space<vmem>>
    %dma_wait3A_101 = tpu.memref_slice %arg5[%add3A_24] : memref<320000xi32, #tpu.memory_space<hbm>> -> memref<4992xi32, #tpu.memory_space<hbm>>
    tpu.wait_dma2 semaphore(%arg27 : memref<!tpu.dma_semaphore, #tpu.memory_space<semaphore_mem>>) src(%dma_wait3A_101 : memref<4992xi32, #tpu.memory_space<hbm>>) dst(%dma_wait3A_100 : memref<4992xi32, #tpu.memory_space<vmem>>)
    %dma_wait3A_102 = arith.constant 19968 : i32
    %dma_wait3A_103 = tpu.memref_slice %arg12[%dma_wait3A_102] : memref<20000xi32, #tpu.memory_space<vmem>> -> memref<32xi32, #tpu.memory_space<vmem>>
    %dma_wait3A_104 = tpu.memref_slice %arg5[%add3A_32] : memref<320000xi32, #tpu.memory_space<hbm>> -> memref<32xi32, #tpu.memory_space<hbm>>
    %dma_wait3A_105 = arith.constant 19968 : i32
    %dma_wait3A_106 = tpu.memref_slice %arg12[%dma_wait3A_105] : memref<20000xi32, #tpu.memory_space<vmem>> -> memref<32xi32, #tpu.memory_space<vmem>>
    %dma_wait3A_107 = tpu.memref_slice %arg5[%add3A_32] : memref<320000xi32, #tpu.memory_space<hbm>> -> memref<32xi32, #tpu.memory_space<hbm>>
    tpu.wait_dma2 semaphore(%arg27 : memref<!tpu.dma_semaphore, #tpu.memory_space<semaphore_mem>>) src(%dma_wait3A_107 : memref<32xi32, #tpu.memory_space<hbm>>) dst(%dma_wait3A_106 : memref<32xi32, #tpu.memory_space<vmem>>)
    %scan3A_108 = arith.constant 234 : i32
    %scan3A_109 = arith.constant 78 : i32
    %scan3A_110 = arith.addi %scan3A_108, %scan3A_109 : i32
    %scan3A_111 = arith.constant 1 : i32
    %scan3A_112 = scf.for %scan3A_211 = %scan3A_108 to %scan3A_110 step %scan3A_111 iter_args(%scan3A_212 = %scan3A_94) -> (i32)  : i32 {
      %mul3A_213 = arith.constant 64 : i32
      %mul3A_214 = arith.muli %scan3A_211, %mul3A_213 : i32
      %add3A_215 = arith.constant 0 : i32
      %add3A_216 = arith.addi %mul3A_214, %add3A_215 : i32
      %get3A_217 = arith.index_cast %add3A_216 : i32 to index
      %get3A_218 = tpu.vector_load %arg12[%get3A_217] {strides = array<i32>} : memref<20000xi32, #tpu.memory_space<vmem>>, vector<16xi32>,
      %sub3A_219 = arith.subi %get3A_218, %min3A_56 : vector<16xi32>
      %bitcast_convert_type3A_220 = tpu.bitcast %sub3A_219 : vector<16xi32> -> vector<16xi32>
      %le3A = arith.cmpi ule, %bitcast_convert_type3A_220, %bitcast_convert_type3A : vector<16xi32>
      %add3A_221 = arith.constant 16 : i32
      %add3A_222 = arith.addi %mul3A_214, %add3A_221 : i32
      %get3A_223 = arith.index_cast %add3A_222 : i32 to index
      %get3A_224 = tpu.vector_load %arg12[%get3A_223] {strides = array<i32>} : memref<20000xi32, #tpu.memory_space<vmem>>, vector<16xi32>,
      %sub3A_225 = arith.subi %get3A_224, %min3A_56 : vector<16xi32>
      %bitcast_convert_type3A_226 = tpu.bitcast %sub3A_225 : vector<16xi32> -> vector<16xi32>
      %le3A_227 = arith.cmpi ule, %bitcast_convert_type3A_226, %bitcast_convert_type3A : vector<16xi32>
      %or3A = arith.ori %le3A, %le3A_227 : vector<16xi1>
      %add3A_228 = arith.constant 32 : i32
      %add3A_229 = arith.addi %mul3A_214, %add3A_228 : i32
      %get3A_230 = arith.index_cast %add3A_229 : i32 to index
      %get3A_231 = tpu.vector_load %arg12[%get3A_230] {strides = array<i32>} : memref<20000xi32, #tpu.memory_space<vmem>>, vector<16xi32>,
      %sub3A_232 = arith.subi %get3A_231, %min3A_56 : vector<16xi32>
      %bitcast_convert_type3A_233 = tpu.bitcast %sub3A_232 : vector<16xi32> -> vector<16xi32>
      %le3A_234 = arith.cmpi ule, %bitcast_convert_type3A_233, %bitcast_convert_type3A : vector<16xi32>
      %or3A_235 = arith.ori %or3A, %le3A_234 : vector<16xi1>
      %add3A_236 = arith.constant 48 : i32
      %add3A_237 = arith.addi %mul3A_214, %add3A_236 : i32
      %get3A_238 = arith.index_cast %add3A_237 : i32 to index
      %get3A_239 = tpu.vector_load %arg12[%get3A_238] {strides = array<i32>} : memref<20000xi32, #tpu.memory_space<vmem>>, vector<16xi32>,
      %sub3A_240 = arith.subi %get3A_239, %min3A_56 : vector<16xi32>
      %bitcast_convert_type3A_241 = tpu.bitcast %sub3A_240 : vector<16xi32> -> vector<16xi32>
      %le3A_242 = arith.cmpi ule, %bitcast_convert_type3A_241, %bitcast_convert_type3A : vector<16xi32>
      %or3A_243 = arith.ori %or3A_235, %le3A_242 : vector<16xi1>
      %reduce_or3A = arith.constant 1.000000e+00 : f32
      %reduce_or3A_244 = arith.constant 0.000000e+00 : f32
      %reduce_or3A_245 = vector.broadcast %reduce_or3A : f32 to vector<16xf32>
      %reduce_or3A_246 = vector.broadcast %reduce_or3A_244 : f32 to vector<16xf32>
      %reduce_or3A_247 = arith.select %or3A_243, %reduce_or3A_245, %reduce_or3A_246 : vector<16xi1>, vector<16xf32>
      %reduce_or3A_248 = arith.constant true
      %reduce_or3A_249 = vector.broadcast %reduce_or3A_248 : i1 to vector<16xi1>
      %reduce_or3A_250 = tpu.scan <max>, %reduce_or3A_247 masked %reduce_or3A_249 : vector<16xf32>, vector<16xi1> -> vector<16xf32>
      %reduce_or3A_251 = vector.extract %reduce_or3A_250[15] : f32 from vector<16xf32>
      %reduce_or3A_252 = arith.constant 0.000000e+00 : f32
      %reduce_or3A_253 = arith.cmpf ogt, %reduce_or3A_251, %reduce_or3A_252 : f32
      %convert_element_type3A_254 = arith.extui %reduce_or3A_253 : i1 to i32
      %cond3A_255 = arith.constant 0 : i32
      %cond3A_256 = arith.cmpi ne, %convert_element_type3A_254, %cond3A_255 : i32
      scf.if %cond3A_256 {
        %swap3A_259 = arith.index_cast %scan3A_212 : i32 to index
        %swap3A_260 = memref.load %arg20[%swap3A_259] : memref<313xi32, #tpu.memory_space<smem>>
        memref.store %scan3A_211, %arg20[%swap3A_259] : memref<313xi32, #tpu.memory_space<smem>>
      } else {
      }
      %convert_element_type3A_257 = arith.extui %reduce_or3A_253 : i1 to i32
      %add3A_258 = arith.addi %scan3A_212, %convert_element_type3A_257 : i32
      scf.yield %add3A_258 : i32
    }
    %scan3A_113 = arith.constant 78 : i32
    %dma_wait3A_114 = tpu.memref_slice %arg4[%mul3A_0] : memref<320000xi32, #tpu.memory_space<hbm>> -> memref<20000xi32, #tpu.memory_space<hbm>>
    %dma_wait3A_115 = tpu.memref_slice %arg4[%mul3A_0] : memref<320000xi32, #tpu.memory_space<hbm>> -> memref<20000xi32, #tpu.memory_space<hbm>>
    tpu.wait_dma2 semaphore(%arg21 : memref<!tpu.dma_semaphore, #tpu.memory_space<semaphore_mem>>) src(%dma_wait3A_115 : memref<20000xi32, #tpu.memory_space<hbm>>) dst(%arg11 : memref<20000xi32, #tpu.memory_space<vmem>>)
    %dma_wait3A_116 = tpu.memref_slice %arg3[%mul3A_0] : memref<320000xf32, #tpu.memory_space<hbm>> -> memref<20000xf32, #tpu.memory_space<hbm>>
    %dma_wait3A_117 = tpu.memref_slice %arg3[%mul3A_0] : memref<320000xf32, #tpu.memory_space<hbm>> -> memref<20000xf32, #tpu.memory_space<hbm>>
    tpu.wait_dma2 semaphore(%arg21 : memref<!tpu.dma_semaphore, #tpu.memory_space<semaphore_mem>>) src(%dma_wait3A_117 : memref<20000xf32, #tpu.memory_space<hbm>>) dst(%arg13 : memref<20000xf32, #tpu.memory_space<vmem>>)
    tpu.wait_dma2 semaphore(%arg21 : memref<!tpu.dma_semaphore, #tpu.memory_space<semaphore_mem>>) src(%arg2 : memref<10000xf32, #tpu.memory_space<hbm>>) dst(%arg10 : memref<10000xf32, #tpu.memory_space<vmem>>)
    %while3A = arith.constant 0 : i32
    %while3A_118 = arith.subi %scan3A_112, %while3A : i32
    %while3A_119 = arith.addi %while3A, %while3A_118 : i32
    %while3A_120 = arith.constant 1 : i32
    %while3A_121 = arith.divsi %while3A_118, %while3A_120 : i32
    %while3A_122 = arith.muli %while3A_121, %while3A_120 : i32
    %while3A_123 = arith.addi %while3A, %while3A_122 : i32
    %while3A_124 = arith.constant 1 : i32
    %while3A_125:4 = scf.for %while3A_211 = %while3A to %while3A_123 step %while3A_124 iter_args(%while3A_212 = %broadcast_in_dim3A_60, %while3A_213 = %broadcast_in_dim3A_60, %while3A_214 = %broadcast_in_dim3A_60, %while3A_215 = %broadcast_in_dim3A_60) -> (vector<16xf32>, vector<16xf32>, vector<16xf32>, vector<16xf32>)  : i32 {
      %get3A_216 = arith.index_cast %while3A_211 : i32 to index
      %get3A_217 = memref.load %arg20[%get3A_216] : memref<313xi32, #tpu.memory_space<smem>>
      %mul3A_218 = arith.constant 64 : i32
      %mul3A_219 = arith.muli %get3A_217, %mul3A_218 : i32
      %add3A_220 = arith.constant 0 : i32
      %add3A_221 = arith.addi %mul3A_219, %add3A_220 : i32
      %add3A_222 = arith.constant 0 : i32
      %add3A_223 = arith.addi %mul3A_219, %add3A_222 : i32
      %get3A_224 = arith.index_cast %add3A_223 : i32 to index
      %get3A_225 = tpu.vector_load %arg12[%get3A_224] {strides = array<i32>} : memref<20000xi32, #tpu.memory_space<vmem>>, vector<16xi32>,
      %get3A_226 = arith.index_cast %add3A_221 : i32 to index
      %get3A_227 = tpu.vector_load %arg11[%get3A_226] {strides = array<i32>} : memref<20000xi32, #tpu.memory_space<vmem>>, vector<16xi32>,
      %get3A_228 = arith.index_cast %add3A_221 : i32 to index
      %get3A_229 = tpu.vector_load %arg13[%get3A_228] {strides = array<i32>} : memref<20000xf32, #tpu.memory_space<vmem>>, vector<16xf32>,
      %gather3A_230 = tpu.vector_load_idx %arg10[%get3A_227] : memref<10000xf32, #tpu.memory_space<vmem>>[vector<16xi32>], vector<16xf32>,
      %mul3A_231 = arith.mulf %get3A_229, %gather3A_230 : vector<16xf32>
      %eq3A_232 = arith.cmpi eq, %get3A_225, %gather3A : vector<16xi32>
      %select_n3A_233 = arith.select %eq3A_232, %mul3A_231, %broadcast_in_dim3A_60 : vector<16xi1>, vector<16xf32>
      %add3A_234 = arith.addf %while3A_212, %select_n3A_233 : vector<16xf32>
      %eq3A_235 = arith.cmpi eq, %get3A_225, %gather3A_48 : vector<16xi32>
      %select_n3A_236 = arith.select %eq3A_235, %mul3A_231, %broadcast_in_dim3A_60 : vector<16xi1>, vector<16xf32>
      %add3A_237 = arith.addf %while3A_213, %select_n3A_236 : vector<16xf32>
      %eq3A_238 = arith.cmpi eq, %get3A_225, %gather3A_51 : vector<16xi32>
      %select_n3A_239 = arith.select %eq3A_238, %mul3A_231, %broadcast_in_dim3A_60 : vector<16xi1>, vector<16xf32>
      %add3A_240 = arith.addf %while3A_214, %select_n3A_239 : vector<16xf32>
      %eq3A_241 = arith.cmpi eq, %get3A_225, %gather3A_54 : vector<16xi32>
      %select_n3A_242 = arith.select %eq3A_241, %mul3A_231, %broadcast_in_dim3A_60 : vector<16xi1>, vector<16xf32>
      %add3A_243 = arith.addf %while3A_215, %select_n3A_242 : vector<16xf32>
      %add3A_244 = arith.constant 16 : i32
      %add3A_245 = arith.addi %mul3A_219, %add3A_244 : i32
      %add3A_246 = arith.constant 16 : i32
      %add3A_247 = arith.addi %mul3A_219, %add3A_246 : i32
      %get3A_248 = arith.index_cast %add3A_247 : i32 to index
      %get3A_249 = tpu.vector_load %arg12[%get3A_248] {strides = array<i32>} : memref<20000xi32, #tpu.memory_space<vmem>>, vector<16xi32>,
      %get3A_250 = arith.index_cast %add3A_245 : i32 to index
      %get3A_251 = tpu.vector_load %arg11[%get3A_250] {strides = array<i32>} : memref<20000xi32, #tpu.memory_space<vmem>>, vector<16xi32>,
      %get3A_252 = arith.index_cast %add3A_245 : i32 to index
      %get3A_253 = tpu.vector_load %arg13[%get3A_252] {strides = array<i32>} : memref<20000xf32, #tpu.memory_space<vmem>>, vector<16xf32>,
      %gather3A_254 = tpu.vector_load_idx %arg10[%get3A_251] : memref<10000xf32, #tpu.memory_space<vmem>>[vector<16xi32>], vector<16xf32>,
      %mul3A_255 = arith.mulf %get3A_253, %gather3A_254 : vector<16xf32>
      %eq3A_256 = arith.cmpi eq, %get3A_249, %gather3A : vector<16xi32>
      %select_n3A_257 = arith.select %eq3A_256, %mul3A_255, %broadcast_in_dim3A_60 : vector<16xi1>, vector<16xf32>
      %add3A_258 = arith.addf %add3A_234, %select_n3A_257 : vector<16xf32>
      %eq3A_259 = arith.cmpi eq, %get3A_249, %gather3A_48 : vector<16xi32>
      %select_n3A_260 = arith.select %eq3A_259, %mul3A_255, %broadcast_in_dim3A_60 : vector<16xi1>, vector<16xf32>
      %add3A_261 = arith.addf %add3A_237, %select_n3A_260 : vector<16xf32>
      %eq3A_262 = arith.cmpi eq, %get3A_249, %gather3A_51 : vector<16xi32>
      %select_n3A_263 = arith.select %eq3A_262, %mul3A_255, %broadcast_in_dim3A_60 : vector<16xi1>, vector<16xf32>
      %add3A_264 = arith.addf %add3A_240, %select_n3A_263 : vector<16xf32>
      %eq3A_265 = arith.cmpi eq, %get3A_249, %gather3A_54 : vector<16xi32>
      %select_n3A_266 = arith.select %eq3A_265, %mul3A_255, %broadcast_in_dim3A_60 : vector<16xi1>, vector<16xf32>
      %add3A_267 = arith.addf %add3A_243, %select_n3A_266 : vector<16xf32>
      %add3A_268 = arith.constant 32 : i32
      %add3A_269 = arith.addi %mul3A_219, %add3A_268 : i32
      %add3A_270 = arith.constant 32 : i32
      %add3A_271 = arith.addi %mul3A_219, %add3A_270 : i32
      %get3A_272 = arith.index_cast %add3A_271 : i32 to index
      %get3A_273 = tpu.vector_load %arg12[%get3A_272] {strides = array<i32>} : memref<20000xi32, #tpu.memory_space<vmem>>, vector<16xi32>,
      %get3A_274 = arith.index_cast %add3A_269 : i32 to index
      %get3A_275 = tpu.vector_load %arg11[%get3A_274] {strides = array<i32>} : memref<20000xi32, #tpu.memory_space<vmem>>, vector<16xi32>,
      %get3A_276 = arith.index_cast %add3A_269 : i32 to index
      %get3A_277 = tpu.vector_load %arg13[%get3A_276] {strides = array<i32>} : memref<20000xf32, #tpu.memory_space<vmem>>, vector<16xf32>,
      %gather3A_278 = tpu.vector_load_idx %arg10[%get3A_275] : memref<10000xf32, #tpu.memory_space<vmem>>[vector<16xi32>], vector<16xf32>,
      %mul3A_279 = arith.mulf %get3A_277, %gather3A_278 : vector<16xf32>
      %eq3A_280 = arith.cmpi eq, %get3A_273, %gather3A : vector<16xi32>
      %select_n3A_281 = arith.select %eq3A_280, %mul3A_279, %broadcast_in_dim3A_60 : vector<16xi1>, vector<16xf32>
      %add3A_282 = arith.addf %add3A_258, %select_n3A_281 : vector<16xf32>
      %eq3A_283 = arith.cmpi eq, %get3A_273, %gather3A_48 : vector<16xi32>
      %select_n3A_284 = arith.select %eq3A_283, %mul3A_279, %broadcast_in_dim3A_60 : vector<16xi1>, vector<16xf32>
      %add3A_285 = arith.addf %add3A_261, %select_n3A_284 : vector<16xf32>
      %eq3A_286 = arith.cmpi eq, %get3A_273, %gather3A_51 : vector<16xi32>
      %select_n3A_287 = arith.select %eq3A_286, %mul3A_279, %broadcast_in_dim3A_60 : vector<16xi1>, vector<16xf32>
      %add3A_288 = arith.addf %add3A_264, %select_n3A_287 : vector<16xf32>
      %eq3A_289 = arith.cmpi eq, %get3A_273, %gather3A_54 : vector<16xi32>
      %select_n3A_290 = arith.select %eq3A_289, %mul3A_279, %broadcast_in_dim3A_60 : vector<16xi1>, vector<16xf32>
      %add3A_291 = arith.addf %add3A_267, %select_n3A_290 : vector<16xf32>
      %add3A_292 = arith.constant 48 : i32
      %add3A_293 = arith.addi %mul3A_219, %add3A_292 : i32
      %add3A_294 = arith.constant 48 : i32
      %add3A_295 = arith.addi %mul3A_219, %add3A_294 : i32
      %get3A_296 = arith.index_cast %add3A_295 : i32 to index
      %get3A_297 = tpu.vector_load %arg12[%get3A_296] {strides = array<i32>} : memref<20000xi32, #tpu.memory_space<vmem>>, vector<16xi32>,
      %get3A_298 = arith.index_cast %add3A_293 : i32 to index
      %get3A_299 = tpu.vector_load %arg11[%get3A_298] {strides = array<i32>} : memref<20000xi32, #tpu.memory_space<vmem>>, vector<16xi32>,
      %get3A_300 = arith.index_cast %add3A_293 : i32 to index
      %get3A_301 = tpu.vector_load %arg13[%get3A_300] {strides = array<i32>} : memref<20000xf32, #tpu.memory_space<vmem>>, vector<16xf32>,
      %gather3A_302 = tpu.vector_load_idx %arg10[%get3A_299] : memref<10000xf32, #tpu.memory_space<vmem>>[vector<16xi32>], vector<16xf32>,
      %mul3A_303 = arith.mulf %get3A_301, %gather3A_302 : vector<16xf32>
      %eq3A_304 = arith.cmpi eq, %get3A_297, %gather3A : vector<16xi32>
      %select_n3A_305 = arith.select %eq3A_304, %mul3A_303, %broadcast_in_dim3A_60 : vector<16xi1>, vector<16xf32>
      %add3A_306 = arith.addf %add3A_282, %select_n3A_305 : vector<16xf32>
      %eq3A_307 = arith.cmpi eq, %get3A_297, %gather3A_48 : vector<16xi32>
      %select_n3A_308 = arith.select %eq3A_307, %mul3A_303, %broadcast_in_dim3A_60 : vector<16xi1>, vector<16xf32>
      %add3A_309 = arith.addf %add3A_285, %select_n3A_308 : vector<16xf32>
      %eq3A_310 = arith.cmpi eq, %get3A_297, %gather3A_51 : vector<16xi32>
      %select_n3A_311 = arith.select %eq3A_310, %mul3A_303, %broadcast_in_dim3A_60 : vector<16xi1>, vector<16xf32>
      %add3A_312 = arith.addf %add3A_288, %select_n3A_311 : vector<16xf32>
      %eq3A_313 = arith.cmpi eq, %get3A_297, %gather3A_54 : vector<16xi32>
      %select_n3A_314 = arith.select %eq3A_313, %mul3A_303, %broadcast_in_dim3A_60 : vector<16xi1>, vector<16xf32>
      %add3A_315 = arith.addf %add3A_291, %select_n3A_314 : vector<16xf32>
      scf.yield %add3A_306, %add3A_309, %add3A_312, %add3A_315 : vector<16xf32>, vector<16xf32>, vector<16xf32>, vector<16xf32>
    }
    %while3A_126 = arith.constant 1 : i32
    %while3A_127:4 = scf.for %while3A_211 = %while3A_123 to %while3A_119 step %while3A_126 iter_args(%while3A_212 = %while3A_125#0, %while3A_213 = %while3A_125#1, %while3A_214 = %while3A_125#2, %while3A_215 = %while3A_125#3) -> (vector<16xf32>, vector<16xf32>, vector<16xf32>, vector<16xf32>)  : i32 {
      %get3A_216 = arith.index_cast %while3A_211 : i32 to index
      %get3A_217 = memref.load %arg20[%get3A_216] : memref<313xi32, #tpu.memory_space<smem>>
      %mul3A_218 = arith.constant 64 : i32
      %mul3A_219 = arith.muli %get3A_217, %mul3A_218 : i32
      %add3A_220 = arith.constant 0 : i32
      %add3A_221 = arith.addi %mul3A_219, %add3A_220 : i32
      %add3A_222 = arith.constant 0 : i32
      %add3A_223 = arith.addi %mul3A_219, %add3A_222 : i32
      %get3A_224 = arith.index_cast %add3A_223 : i32 to index
      %get3A_225 = tpu.vector_load %arg12[%get3A_224] {strides = array<i32>} : memref<20000xi32, #tpu.memory_space<vmem>>, vector<16xi32>,
      %get3A_226 = arith.index_cast %add3A_221 : i32 to index
      %get3A_227 = tpu.vector_load %arg11[%get3A_226] {strides = array<i32>} : memref<20000xi32, #tpu.memory_space<vmem>>, vector<16xi32>,
      %get3A_228 = arith.index_cast %add3A_221 : i32 to index
      %get3A_229 = tpu.vector_load %arg13[%get3A_228] {strides = array<i32>} : memref<20000xf32, #tpu.memory_space<vmem>>, vector<16xf32>,
      %gather3A_230 = tpu.vector_load_idx %arg10[%get3A_227] : memref<10000xf32, #tpu.memory_space<vmem>>[vector<16xi32>], vector<16xf32>,
      %mul3A_231 = arith.mulf %get3A_229, %gather3A_230 : vector<16xf32>
      %eq3A_232 = arith.cmpi eq, %get3A_225, %gather3A : vector<16xi32>
      %select_n3A_233 = arith.select %eq3A_232, %mul3A_231, %broadcast_in_dim3A_60 : vector<16xi1>, vector<16xf32>
      %add3A_234 = arith.addf %while3A_212, %select_n3A_233 : vector<16xf32>
      %eq3A_235 = arith.cmpi eq, %get3A_225, %gather3A_48 : vector<16xi32>
      %select_n3A_236 = arith.select %eq3A_235, %mul3A_231, %broadcast_in_dim3A_60 : vector<16xi1>, vector<16xf32>
      %add3A_237 = arith.addf %while3A_213, %select_n3A_236 : vector<16xf32>
      %eq3A_238 = arith.cmpi eq, %get3A_225, %gather3A_51 : vector<16xi32>
      %select_n3A_239 = arith.select %eq3A_238, %mul3A_231, %broadcast_in_dim3A_60 : vector<16xi1>, vector<16xf32>
      %add3A_240 = arith.addf %while3A_214, %select_n3A_239 : vector<16xf32>
      %eq3A_241 = arith.cmpi eq, %get3A_225, %gather3A_54 : vector<16xi32>
      %select_n3A_242 = arith.select %eq3A_241, %mul3A_231, %broadcast_in_dim3A_60 : vector<16xi1>, vector<16xf32>
      %add3A_243 = arith.addf %while3A_215, %select_n3A_242 : vector<16xf32>
      %add3A_244 = arith.constant 16 : i32
      %add3A_245 = arith.addi %mul3A_219, %add3A_244 : i32
      %add3A_246 = arith.constant 16 : i32
      %add3A_247 = arith.addi %mul3A_219, %add3A_246 : i32
      %get3A_248 = arith.index_cast %add3A_247 : i32 to index
      %get3A_249 = tpu.vector_load %arg12[%get3A_248] {strides = array<i32>} : memref<20000xi32, #tpu.memory_space<vmem>>, vector<16xi32>,
      %get3A_250 = arith.index_cast %add3A_245 : i32 to index
      %get3A_251 = tpu.vector_load %arg11[%get3A_250] {strides = array<i32>} : memref<20000xi32, #tpu.memory_space<vmem>>, vector<16xi32>,
      %get3A_252 = arith.index_cast %add3A_245 : i32 to index
      %get3A_253 = tpu.vector_load %arg13[%get3A_252] {strides = array<i32>} : memref<20000xf32, #tpu.memory_space<vmem>>, vector<16xf32>,
      %gather3A_254 = tpu.vector_load_idx %arg10[%get3A_251] : memref<10000xf32, #tpu.memory_space<vmem>>[vector<16xi32>], vector<16xf32>,
      %mul3A_255 = arith.mulf %get3A_253, %gather3A_254 : vector<16xf32>
      %eq3A_256 = arith.cmpi eq, %get3A_249, %gather3A : vector<16xi32>
      %select_n3A_257 = arith.select %eq3A_256, %mul3A_255, %broadcast_in_dim3A_60 : vector<16xi1>, vector<16xf32>
      %add3A_258 = arith.addf %add3A_234, %select_n3A_257 : vector<16xf32>
      %eq3A_259 = arith.cmpi eq, %get3A_249, %gather3A_48 : vector<16xi32>
      %select_n3A_260 = arith.select %eq3A_259, %mul3A_255, %broadcast_in_dim3A_60 : vector<16xi1>, vector<16xf32>
      %add3A_261 = arith.addf %add3A_237, %select_n3A_260 : vector<16xf32>
      %eq3A_262 = arith.cmpi eq, %get3A_249, %gather3A_51 : vector<16xi32>
      %select_n3A_263 = arith.select %eq3A_262, %mul3A_255, %broadcast_in_dim3A_60 : vector<16xi1>, vector<16xf32>
      %add3A_264 = arith.addf %add3A_240, %select_n3A_263 : vector<16xf32>
      %eq3A_265 = arith.cmpi eq, %get3A_249, %gather3A_54 : vector<16xi32>
      %select_n3A_266 = arith.select %eq3A_265, %mul3A_255, %broadcast_in_dim3A_60 : vector<16xi1>, vector<16xf32>
      %add3A_267 = arith.addf %add3A_243, %select_n3A_266 : vector<16xf32>
      %add3A_268 = arith.constant 32 : i32
      %add3A_269 = arith.addi %mul3A_219, %add3A_268 : i32
      %add3A_270 = arith.constant 32 : i32
      %add3A_271 = arith.addi %mul3A_219, %add3A_270 : i32
      %get3A_272 = arith.index_cast %add3A_271 : i32 to index
      %get3A_273 = tpu.vector_load %arg12[%get3A_272] {strides = array<i32>} : memref<20000xi32, #tpu.memory_space<vmem>>, vector<16xi32>,
      %get3A_274 = arith.index_cast %add3A_269 : i32 to index
      %get3A_275 = tpu.vector_load %arg11[%get3A_274] {strides = array<i32>} : memref<20000xi32, #tpu.memory_space<vmem>>, vector<16xi32>,
      %get3A_276 = arith.index_cast %add3A_269 : i32 to index
      %get3A_277 = tpu.vector_load %arg13[%get3A_276] {strides = array<i32>} : memref<20000xf32, #tpu.memory_space<vmem>>, vector<16xf32>,
      %gather3A_278 = tpu.vector_load_idx %arg10[%get3A_275] : memref<10000xf32, #tpu.memory_space<vmem>>[vector<16xi32>], vector<16xf32>,
      %mul3A_279 = arith.mulf %get3A_277, %gather3A_278 : vector<16xf32>
      %eq3A_280 = arith.cmpi eq, %get3A_273, %gather3A : vector<16xi32>
      %select_n3A_281 = arith.select %eq3A_280, %mul3A_279, %broadcast_in_dim3A_60 : vector<16xi1>, vector<16xf32>
      %add3A_282 = arith.addf %add3A_258, %select_n3A_281 : vector<16xf32>
      %eq3A_283 = arith.cmpi eq, %get3A_273, %gather3A_48 : vector<16xi32>
      %select_n3A_284 = arith.select %eq3A_283, %mul3A_279, %broadcast_in_dim3A_60 : vector<16xi1>, vector<16xf32>
      %add3A_285 = arith.addf %add3A_261, %select_n3A_284 : vector<16xf32>
      %eq3A_286 = arith.cmpi eq, %get3A_273, %gather3A_51 : vector<16xi32>
      %select_n3A_287 = arith.select %eq3A_286, %mul3A_279, %broadcast_in_dim3A_60 : vector<16xi1>, vector<16xf32>
      %add3A_288 = arith.addf %add3A_264, %select_n3A_287 : vector<16xf32>
      %eq3A_289 = arith.cmpi eq, %get3A_273, %gather3A_54 : vector<16xi32>
      %select_n3A_290 = arith.select %eq3A_289, %mul3A_279, %broadcast_in_dim3A_60 : vector<16xi1>, vector<16xf32>
      %add3A_291 = arith.addf %add3A_267, %select_n3A_290 : vector<16xf32>
      %add3A_292 = arith.constant 48 : i32
      %add3A_293 = arith.addi %mul3A_219, %add3A_292 : i32
      %add3A_294 = arith.constant 48 : i32
      %add3A_295 = arith.addi %mul3A_219, %add3A_294 : i32
      %get3A_296 = arith.index_cast %add3A_295 : i32 to index
      %get3A_297 = tpu.vector_load %arg12[%get3A_296] {strides = array<i32>} : memref<20000xi32, #tpu.memory_space<vmem>>, vector<16xi32>,
      %get3A_298 = arith.index_cast %add3A_293 : i32 to index
      %get3A_299 = tpu.vector_load %arg11[%get3A_298] {strides = array<i32>} : memref<20000xi32, #tpu.memory_space<vmem>>, vector<16xi32>,
      %get3A_300 = arith.index_cast %add3A_293 : i32 to index
      %get3A_301 = tpu.vector_load %arg13[%get3A_300] {strides = array<i32>} : memref<20000xf32, #tpu.memory_space<vmem>>, vector<16xf32>,
      %gather3A_302 = tpu.vector_load_idx %arg10[%get3A_299] : memref<10000xf32, #tpu.memory_space<vmem>>[vector<16xi32>], vector<16xf32>,
      %mul3A_303 = arith.mulf %get3A_301, %gather3A_302 : vector<16xf32>
      %eq3A_304 = arith.cmpi eq, %get3A_297, %gather3A : vector<16xi32>
      %select_n3A_305 = arith.select %eq3A_304, %mul3A_303, %broadcast_in_dim3A_60 : vector<16xi1>, vector<16xf32>
      %add3A_306 = arith.addf %add3A_282, %select_n3A_305 : vector<16xf32>
      %eq3A_307 = arith.cmpi eq, %get3A_297, %gather3A_48 : vector<16xi32>
      %select_n3A_308 = arith.select %eq3A_307, %mul3A_303, %broadcast_in_dim3A_60 : vector<16xi1>, vector<16xf32>
      %add3A_309 = arith.addf %add3A_285, %select_n3A_308 : vector<16xf32>
      %eq3A_310 = arith.cmpi eq, %get3A_297, %gather3A_51 : vector<16xi32>
      %select_n3A_311 = arith.select %eq3A_310, %mul3A_303, %broadcast_in_dim3A_60 : vector<16xi1>, vector<16xf32>
      %add3A_312 = arith.addf %add3A_288, %select_n3A_311 : vector<16xf32>
      %eq3A_313 = arith.cmpi eq, %get3A_297, %gather3A_54 : vector<16xi32>
      %select_n3A_314 = arith.select %eq3A_313, %mul3A_303, %broadcast_in_dim3A_60 : vector<16xi1>, vector<16xf32>
      %add3A_315 = arith.addf %add3A_291, %select_n3A_314 : vector<16xf32>
      scf.yield %add3A_306, %add3A_309, %add3A_312, %add3A_315 : vector<16xf32>, vector<16xf32>, vector<16xf32>, vector<16xf32>
    }
    %get3A = arith.constant 19968 : index
    %get3A_128 = tpu.vector_load %arg12[%get3A] {strides = array<i32>} : memref<20000xi32, #tpu.memory_space<vmem>>, vector<16xi32>,
    %get3A_129 = arith.constant 19968 : index
    %get3A_130 = tpu.vector_load %arg11[%get3A_129] {strides = array<i32>} : memref<20000xi32, #tpu.memory_space<vmem>>, vector<16xi32>,
    %get3A_131 = arith.constant 19968 : index
    %get3A_132 = tpu.vector_load %arg13[%get3A_131] {strides = array<i32>} : memref<20000xf32, #tpu.memory_space<vmem>>, vector<16xf32>,
    %gather3A_133 = tpu.vector_load_idx %arg10[%get3A_130] : memref<10000xf32, #tpu.memory_space<vmem>>[vector<16xi32>], vector<16xf32>,
    %mul3A_134 = arith.mulf %get3A_132, %gather3A_133 : vector<16xf32>
    %eq3A_135 = arith.cmpi eq, %get3A_128, %gather3A : vector<16xi32>
    %select_n3A = arith.select %eq3A_135, %mul3A_134, %broadcast_in_dim3A_60 : vector<16xi1>, vector<16xf32>
    %add3A_136 = arith.addf %while3A_127#0, %select_n3A : vector<16xf32>
    %eq3A_137 = arith.cmpi eq, %get3A_128, %gather3A_48 : vector<16xi32>
    %select_n3A_138 = arith.select %eq3A_137, %mul3A_134, %broadcast_in_dim3A_60 : vector<16xi1>, vector<16xf32>
    %add3A_139 = arith.addf %while3A_127#1, %select_n3A_138 : vector<16xf32>
    %eq3A_140 = arith.cmpi eq, %get3A_128, %gather3A_51 : vector<16xi32>
    %select_n3A_141 = arith.select %eq3A_140, %mul3A_134, %broadcast_in_dim3A_60 : vector<16xi1>, vector<16xf32>
    %add3A_142 = arith.addf %while3A_127#2, %select_n3A_141 : vector<16xf32>
    %eq3A_143 = arith.cmpi eq, %get3A_128, %gather3A_54 : vector<16xi32>
    %select_n3A_144 = arith.select %eq3A_143, %mul3A_134, %broadcast_in_dim3A_60 : vector<16xi1>, vector<16xf32>
    %add3A_145 = arith.addf %while3A_127#3, %select_n3A_144 : vector<16xf32>
    %get3A_146 = arith.constant 19984 : index
    %get3A_147 = tpu.vector_load %arg12[%get3A_146] {strides = array<i32>} : memref<20000xi32, #tpu.memory_space<vmem>>, vector<16xi32>,
    %get3A_148 = arith.constant 19984 : index
    %get3A_149 = tpu.vector_load %arg11[%get3A_148] {strides = array<i32>} : memref<20000xi32, #tpu.memory_space<vmem>>, vector<16xi32>,
    %get3A_150 = arith.constant 19984 : index
    %get3A_151 = tpu.vector_load %arg13[%get3A_150] {strides = array<i32>} : memref<20000xf32, #tpu.memory_space<vmem>>, vector<16xf32>,
    %gather3A_152 = tpu.vector_load_idx %arg10[%get3A_149] : memref<10000xf32, #tpu.memory_space<vmem>>[vector<16xi32>], vector<16xf32>,
    %mul3A_153 = arith.mulf %get3A_151, %gather3A_152 : vector<16xf32>
    %eq3A_154 = arith.cmpi eq, %get3A_147, %gather3A : vector<16xi32>
    %select_n3A_155 = arith.select %eq3A_154, %mul3A_153, %broadcast_in_dim3A_60 : vector<16xi1>, vector<16xf32>
    %add3A_156 = arith.addf %add3A_136, %select_n3A_155 : vector<16xf32>
    %eq3A_157 = arith.cmpi eq, %get3A_147, %gather3A_48 : vector<16xi32>
    %select_n3A_158 = arith.select %eq3A_157, %mul3A_153, %broadcast_in_dim3A_60 : vector<16xi1>, vector<16xf32>
    %add3A_159 = arith.addf %add3A_139, %select_n3A_158 : vector<16xf32>
    %eq3A_160 = arith.cmpi eq, %get3A_147, %gather3A_51 : vector<16xi32>
    %select_n3A_161 = arith.select %eq3A_160, %mul3A_153, %broadcast_in_dim3A_60 : vector<16xi1>, vector<16xf32>
    %add3A_162 = arith.addf %add3A_142, %select_n3A_161 : vector<16xf32>
    %eq3A_163 = arith.cmpi eq, %get3A_147, %gather3A_54 : vector<16xi32>
    %select_n3A_164 = arith.select %eq3A_163, %mul3A_153, %broadcast_in_dim3A_60 : vector<16xi1>, vector<16xf32>
    %add3A_165 = arith.addf %add3A_145, %select_n3A_164 : vector<16xf32>
    %reduce_sum3A = arith.constant true
    %reduce_sum3A_166 = vector.broadcast %reduce_sum3A : i1 to vector<16xi1>
    %reduce_sum3A_167 = tpu.scan <sum>, %add3A_156 masked %reduce_sum3A_166 : vector<16xf32>, vector<16xi1> -> vector<16xf32>
    %reduce_sum3A_168 = vector.extract %reduce_sum3A_167[15] : f32 from vector<16xf32>
    %reduce_sum3A_169 = arith.constant true
    %reduce_sum3A_170 = vector.broadcast %reduce_sum3A_169 : i1 to vector<16xi1>
    %reduce_sum3A_171 = tpu.scan <sum>, %add3A_159 masked %reduce_sum3A_170 : vector<16xf32>, vector<16xi1> -> vector<16xf32>
    %reduce_sum3A_172 = vector.extract %reduce_sum3A_171[15] : f32 from vector<16xf32>
    %reduce_sum3A_173 = arith.constant true
    %reduce_sum3A_174 = vector.broadcast %reduce_sum3A_173 : i1 to vector<16xi1>
    %reduce_sum3A_175 = tpu.scan <sum>, %add3A_162 masked %reduce_sum3A_174 : vector<16xf32>, vector<16xi1> -> vector<16xf32>
    %reduce_sum3A_176 = vector.extract %reduce_sum3A_175[15] : f32 from vector<16xf32>
    %reduce_sum3A_177 = arith.constant true
    %reduce_sum3A_178 = vector.broadcast %reduce_sum3A_177 : i1 to vector<16xi1>
    %reduce_sum3A_179 = tpu.scan <sum>, %add3A_165 masked %reduce_sum3A_178 : vector<16xf32>, vector<16xi1> -> vector<16xf32>
    %reduce_sum3A_180 = vector.extract %reduce_sum3A_179[15] : f32 from vector<16xf32>
    %eq3A_181 = arith.constant 0 : i32
    %eq3A_182 = vector.broadcast %eq3A_181 : i32 to vector<16xi32>
    %eq3A_183 = arith.cmpi eq, %iota3A, %eq3A_182 : vector<16xi32>
    %eq3A_184 = arith.constant 1 : i32
    %eq3A_185 = vector.broadcast %eq3A_184 : i32 to vector<16xi32>
    %eq3A_186 = arith.cmpi eq, %iota3A, %eq3A_185 : vector<16xi32>
    %eq3A_187 = arith.constant 2 : i32
    %eq3A_188 = vector.broadcast %eq3A_187 : i32 to vector<16xi32>
    %eq3A_189 = arith.cmpi eq, %iota3A, %eq3A_188 : vector<16xi32>
    %eq3A_190 = arith.constant 3 : i32
    %eq3A_191 = vector.broadcast %eq3A_190 : i32 to vector<16xi32>
    %eq3A_192 = arith.cmpi eq, %iota3A, %eq3A_191 : vector<16xi32>
    %jit3A = arith.constant 0.000000e+00 : f32
    %broadcast_in_dim3A_193 = vector.broadcast %reduce_sum3A_180 : f32 to vector<16xf32>
    %broadcast_in_dim3A_194 = vector.broadcast %jit3A : f32 to vector<16xf32>
    %select_n3A_195 = arith.select %eq3A_192, %broadcast_in_dim3A_193, %broadcast_in_dim3A_194 : vector<16xi1>, vector<16xf32>
    %broadcast_in_dim3A_196 = vector.broadcast %reduce_sum3A_176 : f32 to vector<16xf32>
    %select_n3A_197 = arith.select %eq3A_189, %broadcast_in_dim3A_196, %select_n3A_195 : vector<16xi1>, vector<16xf32>
    %broadcast_in_dim3A_198 = vector.broadcast %reduce_sum3A_172 : f32 to vector<16xf32>
    %select_n3A_199 = arith.select %eq3A_186, %broadcast_in_dim3A_198, %select_n3A_197 : vector<16xi1>, vector<16xf32>
    %broadcast_in_dim3A_200 = vector.broadcast %reduce_sum3A_168 : f32 to vector<16xf32>
    %select_n3A_201 = arith.select %eq3A_183, %broadcast_in_dim3A_200, %select_n3A_199 : vector<16xi1>, vector<16xf32>
    %mul3A_202 = arith.constant 3.300000e-01 : f32
    %mul3A_203 = vector.broadcast %mul3A_202 : f32 to vector<16xf32>
    %mul3A_204 = arith.mulf %select_n3A_201, %mul3A_203 : vector<16xf32>
    %swap3A = arith.constant 0 : index
    %swap3A_205 = tpu.vector_load %arg14[%swap3A] {strides = array<i32>} : memref<16xf32, #tpu.memory_space<vmem>>, vector<16xf32>,
    tpu.vector_store %arg14[%swap3A], %mul3A_204 {strides = array<i32>} : memref<16xf32, #tpu.memory_space<vmem>>, vector<16xf32>,
    "tpu.region"() ({
      %run_scoped3A = tpu.sem_alloc : memref<!tpu.dma_semaphore, #tpu.memory_space<semaphore_mem>>
      %dma_start3A_211 = arith.constant 0 : i32
      %dma_start3A_212 = tpu.memref_slice %arg19[%arg1, %dma_start3A_211] : memref<16x16xf32, #tpu.memory_space<vmem_shared>> -> memref<1x16xf32, #tpu.memory_space<vmem_shared>>
      %dma_start3A_213 = tpu.memref_squeeze %dma_start3A_212 : memref<1x16xf32, #tpu.memory_space<vmem_shared>> -> memref<16xf32, #tpu.memory_space<vmem_shared>>
      %dma_start3A_214 = arith.constant 0 : i32
      %dma_start3A_215 = tpu.memref_slice %arg19[%arg1, %dma_start3A_214] : memref<16x16xf32, #tpu.memory_space<vmem_shared>> -> memref<1x16xf32, #tpu.memory_space<vmem_shared>>
      %dma_start3A_216 = tpu.memref_squeeze %dma_start3A_215 : memref<1x16xf32, #tpu.memory_space<vmem_shared>> -> memref<16xf32, #tpu.memory_space<vmem_shared>>
      tpu.enqueue_dma source(%arg14 : memref<16xf32, #tpu.memory_space<vmem>>) target(%dma_start3A_216 : memref<16xf32, #tpu.memory_space<vmem_shared>>) target_semaphore(%run_scoped3A : memref<!tpu.dma_semaphore, #tpu.memory_space<semaphore_mem>>)
      %dma_wait3A_217 = arith.constant 0 : i32
      %dma_wait3A_218 = tpu.memref_slice %arg19[%arg1, %dma_wait3A_217] : memref<16x16xf32, #tpu.memory_space<vmem_shared>> -> memref<1x16xf32, #tpu.memory_space<vmem_shared>>
      %dma_wait3A_219 = tpu.memref_squeeze %dma_wait3A_218 : memref<1x16xf32, #tpu.memory_space<vmem_shared>> -> memref<16xf32, #tpu.memory_space<vmem_shared>>
      %dma_wait3A_220 = arith.constant 0 : i32
      %dma_wait3A_221 = tpu.memref_slice %arg19[%arg1, %dma_wait3A_220] : memref<16x16xf32, #tpu.memory_space<vmem_shared>> -> memref<1x16xf32, #tpu.memory_space<vmem_shared>>
      %dma_wait3A_222 = tpu.memref_squeeze %dma_wait3A_221 : memref<1x16xf32, #tpu.memory_space<vmem_shared>> -> memref<16xf32, #tpu.memory_space<vmem_shared>>
      tpu.wait_dma2 semaphore(%run_scoped3A : memref<!tpu.dma_semaphore, #tpu.memory_space<semaphore_mem>>) src(%arg14 : memref<16xf32, #tpu.memory_space<vmem>>) dst(%dma_wait3A_222 : memref<16xf32, #tpu.memory_space<vmem_shared>>)
      tpu.yield
    }) : () -> ()
    %barrier3A = arith.constant 0 : index
    tpu.barrier barrier_id(%barrier3A)
    %eq3A_206 = arith.constant 0 : i32
    %eq3A_207 = arith.cmpi eq, %arg1, %eq3A_206 : i32
    %convert_element_type3A_208 = arith.extui %eq3A_207 : i1 to i32
    %cond3A_209 = arith.constant 0 : i32
    %cond3A_210 = arith.cmpi ne, %convert_element_type3A_208, %cond3A_209 : i32
    scf.if %cond3A_210 {
      tpu.wait_dma2 semaphore(%arg23 : memref<!tpu.dma_semaphore, #tpu.memory_space<semaphore_mem>>) src(%arg7 : memref<10000xf32, #tpu.memory_space<hbm>>) dst(%arg16 : memref<10000xf32, #tpu.memory_space<vmem>>)
      tpu.wait_dma2 semaphore(%arg23 : memref<!tpu.dma_semaphore, #tpu.memory_space<semaphore_mem>>) src(%arg8 : memref<10000xi32, #tpu.memory_space<hbm>>) dst(%arg17 : memref<10000xi32, #tpu.memory_space<vmem>>)
      "tpu.region"() ({
        %run_scoped3A = tpu.sem_alloc : memref<!tpu.dma_semaphore, #tpu.memory_space<semaphore_mem>>
        tpu.enqueue_dma source(%arg19 : memref<16x16xf32, #tpu.memory_space<vmem_shared>>) target(%arg18 : memref<16x16xf32, #tpu.memory_space<vmem>>) target_semaphore(%run_scoped3A : memref<!tpu.dma_semaphore, #tpu.memory_space<semaphore_mem>>)
        tpu.wait_dma2 semaphore(%run_scoped3A : memref<!tpu.dma_semaphore, #tpu.memory_space<semaphore_mem>>) src(%arg19 : memref<16x16xf32, #tpu.memory_space<vmem_shared>>) dst(%arg18 : memref<16x16xf32, #tpu.memory_space<vmem>>)
        tpu.yield
      }) : () -> ()
      %get3A_211 = arith.constant 0 : i32
      %get3A_212 = arith.index_cast %get3A_211 : i32 to index
      %get3A_213 = arith.constant 0 : index
      %get3A_214 = tpu.vector_load %arg18[%get3A_212, %get3A_213] {strides = array<i32>} : memref<16x16xf32, #tpu.memory_space<vmem>>, vector<16xf32>,
      %get3A_215 = arith.constant 1 : i32
      %get3A_216 = arith.index_cast %get3A_215 : i32 to index
      %get3A_217 = arith.constant 0 : index
      %get3A_218 = tpu.vector_load %arg18[%get3A_216, %get3A_217] {strides = array<i32>} : memref<16x16xf32, #tpu.memory_space<vmem>>, vector<16xf32>,
      %add3A_219 = arith.addf %get3A_214, %get3A_218 : vector<16xf32>
      %get3A_220 = arith.constant 2 : i32
      %get3A_221 = arith.index_cast %get3A_220 : i32 to index
      %get3A_222 = arith.constant 0 : index
      %get3A_223 = tpu.vector_load %arg18[%get3A_221, %get3A_222] {strides = array<i32>} : memref<16x16xf32, #tpu.memory_space<vmem>>, vector<16xf32>,
      %add3A_224 = arith.addf %add3A_219, %get3A_223 : vector<16xf32>
      %get3A_225 = arith.constant 3 : i32
      %get3A_226 = arith.index_cast %get3A_225 : i32 to index
      %get3A_227 = arith.constant 0 : index
      %get3A_228 = tpu.vector_load %arg18[%get3A_226, %get3A_227] {strides = array<i32>} : memref<16x16xf32, #tpu.memory_space<vmem>>, vector<16xf32>,
      %add3A_229 = arith.addf %add3A_224, %get3A_228 : vector<16xf32>
      %get3A_230 = arith.constant 4 : i32
      %get3A_231 = arith.index_cast %get3A_230 : i32 to index
      %get3A_232 = arith.constant 0 : index
      %get3A_233 = tpu.vector_load %arg18[%get3A_231, %get3A_232] {strides = array<i32>} : memref<16x16xf32, #tpu.memory_space<vmem>>, vector<16xf32>,
      %add3A_234 = arith.addf %add3A_229, %get3A_233 : vector<16xf32>
      %get3A_235 = arith.constant 5 : i32
      %get3A_236 = arith.index_cast %get3A_235 : i32 to index
      %get3A_237 = arith.constant 0 : index
      %get3A_238 = tpu.vector_load %arg18[%get3A_236, %get3A_237] {strides = array<i32>} : memref<16x16xf32, #tpu.memory_space<vmem>>, vector<16xf32>,
      %add3A_239 = arith.addf %add3A_234, %get3A_238 : vector<16xf32>
      %get3A_240 = arith.constant 6 : i32
      %get3A_241 = arith.index_cast %get3A_240 : i32 to index
      %get3A_242 = arith.constant 0 : index
      %get3A_243 = tpu.vector_load %arg18[%get3A_241, %get3A_242] {strides = array<i32>} : memref<16x16xf32, #tpu.memory_space<vmem>>, vector<16xf32>,
      %add3A_244 = arith.addf %add3A_239, %get3A_243 : vector<16xf32>
      %get3A_245 = arith.constant 7 : i32
      %get3A_246 = arith.index_cast %get3A_245 : i32 to index
      %get3A_247 = arith.constant 0 : index
      %get3A_248 = tpu.vector_load %arg18[%get3A_246, %get3A_247] {strides = array<i32>} : memref<16x16xf32, #tpu.memory_space<vmem>>, vector<16xf32>,
      %add3A_249 = arith.addf %add3A_244, %get3A_248 : vector<16xf32>
      %get3A_250 = arith.constant 8 : i32
      %get3A_251 = arith.index_cast %get3A_250 : i32 to index
      %get3A_252 = arith.constant 0 : index
      %get3A_253 = tpu.vector_load %arg18[%get3A_251, %get3A_252] {strides = array<i32>} : memref<16x16xf32, #tpu.memory_space<vmem>>, vector<16xf32>,
      %add3A_254 = arith.addf %add3A_249, %get3A_253 : vector<16xf32>
      %get3A_255 = arith.constant 9 : i32
      %get3A_256 = arith.index_cast %get3A_255 : i32 to index
      %get3A_257 = arith.constant 0 : index
      %get3A_258 = tpu.vector_load %arg18[%get3A_256, %get3A_257] {strides = array<i32>} : memref<16x16xf32, #tpu.memory_space<vmem>>, vector<16xf32>,
      %add3A_259 = arith.addf %add3A_254, %get3A_258 : vector<16xf32>
      %get3A_260 = arith.constant 10 : i32
      %get3A_261 = arith.index_cast %get3A_260 : i32 to index
      %get3A_262 = arith.constant 0 : index
      %get3A_263 = tpu.vector_load %arg18[%get3A_261, %get3A_262] {strides = array<i32>} : memref<16x16xf32, #tpu.memory_space<vmem>>, vector<16xf32>,
      %add3A_264 = arith.addf %add3A_259, %get3A_263 : vector<16xf32>
      %get3A_265 = arith.constant 11 : i32
      %get3A_266 = arith.index_cast %get3A_265 : i32 to index
      %get3A_267 = arith.constant 0 : index
      %get3A_268 = tpu.vector_load %arg18[%get3A_266, %get3A_267] {strides = array<i32>} : memref<16x16xf32, #tpu.memory_space<vmem>>, vector<16xf32>,
      %add3A_269 = arith.addf %add3A_264, %get3A_268 : vector<16xf32>
      %get3A_270 = arith.constant 12 : i32
      %get3A_271 = arith.index_cast %get3A_270 : i32 to index
      %get3A_272 = arith.constant 0 : index
      %get3A_273 = tpu.vector_load %arg18[%get3A_271, %get3A_272] {strides = array<i32>} : memref<16x16xf32, #tpu.memory_space<vmem>>, vector<16xf32>,
      %add3A_274 = arith.addf %add3A_269, %get3A_273 : vector<16xf32>
      %get3A_275 = arith.constant 13 : i32
      %get3A_276 = arith.index_cast %get3A_275 : i32 to index
      %get3A_277 = arith.constant 0 : index
      %get3A_278 = tpu.vector_load %arg18[%get3A_276, %get3A_277] {strides = array<i32>} : memref<16x16xf32, #tpu.memory_space<vmem>>, vector<16xf32>,
      %add3A_279 = arith.addf %add3A_274, %get3A_278 : vector<16xf32>
      %get3A_280 = arith.constant 14 : i32
      %get3A_281 = arith.index_cast %get3A_280 : i32 to index
      %get3A_282 = arith.constant 0 : index
      %get3A_283 = tpu.vector_load %arg18[%get3A_281, %get3A_282] {strides = array<i32>} : memref<16x16xf32, #tpu.memory_space<vmem>>, vector<16xf32>,
      %add3A_284 = arith.addf %add3A_279, %get3A_283 : vector<16xf32>
      %get3A_285 = arith.constant 15 : i32
      %get3A_286 = arith.index_cast %get3A_285 : i32 to index
      %get3A_287 = arith.constant 0 : index
      %get3A_288 = tpu.vector_load %arg18[%get3A_286, %get3A_287] {strides = array<i32>} : memref<16x16xf32, #tpu.memory_space<vmem>>, vector<16xf32>,
      %add3A_289 = arith.addf %add3A_284, %get3A_288 : vector<16xf32>
      %min3A_290 = arith.constant 3 : i32
      %min3A_291 = vector.broadcast %min3A_290 : i32 to vector<16xi32>
      %min3A_292 = arith.minsi %iota3A, %min3A_291 : vector<16xi32>
      %gather3A_293 = tpu.vector_load_idx %arg15[%min3A_292] : memref<16xi32, #tpu.memory_space<vmem>>[vector<16xi32>], vector<16xi32>,
      %gather3A_294 = tpu.vector_load_idx %arg10[%gather3A_293] : memref<10000xf32, #tpu.memory_space<vmem>>[vector<16xi32>], vector<16xf32>,
      %mul3A_295 = arith.constant 3.300000e-01 : f32
      %mul3A_296 = vector.broadcast %mul3A_295 : f32 to vector<16xf32>
      %mul3A_297 = arith.mulf %gather3A_294, %mul3A_296 : vector<16xf32>
      %add3A_298 = arith.addf %add3A_289, %mul3A_297 : vector<16xf32>
      %gather3A_299 = tpu.vector_load_idx %arg16[%gather3A_293] : memref<10000xf32, #tpu.memory_space<vmem>>[vector<16xi32>], vector<16xf32>,
      %add3A_300 = arith.addf %add3A_298, %gather3A_299 : vector<16xf32>
      %gather3A_301 = tpu.vector_load_idx %arg17[%gather3A_293] : memref<10000xi32, #tpu.memory_space<vmem>>[vector<16xi32>], vector<16xi32>,
      %eq3A_302 = arith.constant 1 : i32
      %eq3A_303 = vector.broadcast %eq3A_302 : i32 to vector<16xi32>
      %eq3A_304 = arith.cmpi eq, %gather3A_301, %eq3A_303 : vector<16xi32>
      %max3A_305 = arith.constant 0.000000e+00 : f32
      %max3A_306 = vector.broadcast %max3A_305 : f32 to vector<16xf32>
      %max3A_307 = arith.maximumf %add3A_300, %max3A_306 : vector<16xf32>
      %select_n3A_308 = arith.select %eq3A_304, %max3A_307, %add3A_300 : vector<16xi1>, vector<16xf32>
      %eq3A_309 = arith.constant 2 : i32
      %eq3A_310 = vector.broadcast %eq3A_309 : i32 to vector<16xi32>
      %eq3A_311 = arith.cmpi eq, %gather3A_301, %eq3A_310 : vector<16xi32>
      %ge3A = arith.constant 0.000000e+00 : f32
      %ge3A_312 = vector.broadcast %ge3A : f32 to vector<16xf32>
      %ge3A_313 = arith.cmpf oge, %add3A_300, %ge3A_312 : vector<16xf32>
      %mul3A_314 = arith.constant 0.00999999977 : f32
      %mul3A_315 = vector.broadcast %mul3A_314 : f32 to vector<16xf32>
      %mul3A_316 = arith.mulf %mul3A_315, %add3A_300 : vector<16xf32>
      %select_n3A_317 = arith.select %ge3A_313, %add3A_300, %mul3A_316 : vector<16xi1>, vector<16xf32>
      %select_n3A_318 = arith.select %eq3A_311, %select_n3A_317, %select_n3A_308 : vector<16xi1>, vector<16xf32>
      %eq3A_319 = arith.constant 3 : i32
      %eq3A_320 = vector.broadcast %eq3A_319 : i32 to vector<16xi32>
      %eq3A_321 = arith.cmpi eq, %gather3A_301, %eq3A_320 : vector<16xi32>
      %jit3A_322 = arith.constant 0.000000e+00 : f32
      %jit3A_323 = arith.constant 1.000000e+00 : f32
      %max3A_324 = vector.broadcast %jit3A_322 : f32 to vector<16xf32>
      %max3A_325 = arith.maximumf %max3A_324, %add3A_300 : vector<16xf32>
      %min3A_326 = vector.broadcast %jit3A_323 : f32 to vector<16xf32>
      %min3A_327 = arith.minimumf %min3A_326, %max3A_325 : vector<16xf32>
      %select_n3A_328 = arith.select %eq3A_321, %min3A_327, %select_n3A_318 : vector<16xi1>, vector<16xf32>
      %abs3A = math.absf %add3A_300 : vector<16xf32>
      %mul3A_329 = arith.constant -2.000000e+00 : f32
      %mul3A_330 = vector.broadcast %mul3A_329 : f32 to vector<16xf32>
      %mul3A_331 = arith.mulf %mul3A_330, %abs3A : vector<16xf32>
      %exp3A = math.exp %mul3A_331 : vector<16xf32>
      %sub3A_332 = arith.constant 1.000000e+00 : f32
      %sub3A_333 = vector.broadcast %sub3A_332 : f32 to vector<16xf32>
      %sub3A_334 = arith.subf %sub3A_333, %exp3A : vector<16xf32>
      %add3A_335 = arith.constant 1.000000e+00 : f32
      %add3A_336 = vector.broadcast %add3A_335 : f32 to vector<16xf32>
      %add3A_337 = arith.addf %add3A_336, %exp3A : vector<16xf32>
      %div3A = arith.divf %sub3A_334, %add3A_337 : vector<16xf32>
      %eq3A_338 = arith.constant 4 : i32
      %eq3A_339 = vector.broadcast %eq3A_338 : i32 to vector<16xi32>
      %eq3A_340 = arith.cmpi eq, %gather3A_301, %eq3A_339 : vector<16xi32>
      %ge3A_341 = arith.constant 0.000000e+00 : f32
      %ge3A_342 = vector.broadcast %ge3A_341 : f32 to vector<16xf32>
      %ge3A_343 = arith.cmpf oge, %add3A_300, %ge3A_342 : vector<16xf32>
      %neg3A = arith.constant 0.000000e+00 : f32
      %neg3A_344 = vector.broadcast %neg3A : f32 to vector<16xf32>
      %neg3A_345 = arith.subf %neg3A_344, %div3A : vector<16xf32>
      %select_n3A_346 = arith.select %ge3A_343, %div3A, %neg3A_345 : vector<16xi1>, vector<16xf32>
      %select_n3A_347 = arith.select %eq3A_340, %select_n3A_346, %select_n3A_328 : vector<16xi1>, vector<16xf32>
      %eq3A_348 = arith.constant 5 : i32
      %eq3A_349 = vector.broadcast %eq3A_348 : i32 to vector<16xi32>
      %eq3A_350 = arith.cmpi eq, %gather3A_301, %eq3A_349 : vector<16xi32>
      %neg3A_351 = arith.constant 0.000000e+00 : f32
      %neg3A_352 = vector.broadcast %neg3A_351 : f32 to vector<16xf32>
      %neg3A_353 = arith.subf %neg3A_352, %add3A_300 : vector<16xf32>
      %exp3A_354 = math.exp %neg3A_353 : vector<16xf32>
      %add3A_355 = arith.constant 1.000000e+00 : f32
      %add3A_356 = vector.broadcast %add3A_355 : f32 to vector<16xf32>
      %add3A_357 = arith.addf %add3A_356, %exp3A_354 : vector<16xf32>
      %div3A_358 = arith.constant 1.000000e+00 : f32
      %div3A_359 = vector.broadcast %div3A_358 : f32 to vector<16xf32>
      %div3A_360 = arith.divf %div3A_359, %add3A_357 : vector<16xf32>
      %select_n3A_361 = arith.select %eq3A_350, %div3A_360, %select_n3A_347 : vector<16xi1>, vector<16xf32>
      %max3A_362 = arith.constant 0.000000e+00 : f32
      %max3A_363 = vector.broadcast %max3A_362 : f32 to vector<16xf32>
      %max3A_364 = arith.maximumf %add3A_300, %max3A_363 : vector<16xf32>
      %abs3A_365 = math.absf %add3A_300 : vector<16xf32>
      %neg3A_366 = arith.constant 0.000000e+00 : f32
      %neg3A_367 = vector.broadcast %neg3A_366 : f32 to vector<16xf32>
      %neg3A_368 = arith.subf %neg3A_367, %abs3A_365 : vector<16xf32>
      %exp3A_369 = math.exp %neg3A_368 : vector<16xf32>
      %add3A_370 = arith.constant 1.000000e+00 : f32
      %add3A_371 = vector.broadcast %add3A_370 : f32 to vector<16xf32>
      %add3A_372 = arith.addf %add3A_371, %exp3A_369 : vector<16xf32>
      %mul3A_373 = arith.constant 0.693147182 : f32
      %mul3A_374 = vector.broadcast %mul3A_373 : f32 to vector<16xf32>
      %mul3A_375 = arith.mulf %exp3A_369, %mul3A_374 : vector<16xf32>
      %sub3A_376 = arith.constant 1.000000e+00 : f32
      %sub3A_377 = vector.broadcast %sub3A_376 : f32 to vector<16xf32>
      %sub3A_378 = arith.subf %mul3A_375, %sub3A_377 : vector<16xf32>
      %neg3A_379 = arith.constant 0.000000e+00 : f32
      %neg3A_380 = vector.broadcast %neg3A_379 : f32 to vector<16xf32>
      %neg3A_381 = arith.subf %neg3A_380, %mul3A_375 : vector<16xf32>
      %exp3A_382 = math.exp %neg3A_381 : vector<16xf32>
      %mul3A_383 = arith.mulf %add3A_372, %exp3A_382 : vector<16xf32>
      %add3A_384 = arith.addf %sub3A_378, %mul3A_383 : vector<16xf32>
      %sub3A_385 = arith.constant 1.000000e+00 : f32
      %sub3A_386 = vector.broadcast %sub3A_385 : f32 to vector<16xf32>
      %sub3A_387 = arith.subf %add3A_384, %sub3A_386 : vector<16xf32>
      %neg3A_388 = arith.constant 0.000000e+00 : f32
      %neg3A_389 = vector.broadcast %neg3A_388 : f32 to vector<16xf32>
      %neg3A_390 = arith.subf %neg3A_389, %add3A_384 : vector<16xf32>
      %exp3A_391 = math.exp %neg3A_390 : vector<16xf32>
      %mul3A_392 = arith.mulf %add3A_372, %exp3A_391 : vector<16xf32>
      %add3A_393 = arith.addf %sub3A_387, %mul3A_392 : vector<16xf32>
      %sub3A_394 = arith.constant 1.000000e+00 : f32
      %sub3A_395 = vector.broadcast %sub3A_394 : f32 to vector<16xf32>
      %sub3A_396 = arith.subf %add3A_393, %sub3A_395 : vector<16xf32>
      %neg3A_397 = arith.constant 0.000000e+00 : f32
      %neg3A_398 = vector.broadcast %neg3A_397 : f32 to vector<16xf32>
      %neg3A_399 = arith.subf %neg3A_398, %add3A_393 : vector<16xf32>
      %exp3A_400 = math.exp %neg3A_399 : vector<16xf32>
      %mul3A_401 = arith.mulf %add3A_372, %exp3A_400 : vector<16xf32>
      %add3A_402 = arith.addf %sub3A_396, %mul3A_401 : vector<16xf32>
      %sub3A_403 = arith.constant 1.000000e+00 : f32
      %sub3A_404 = vector.broadcast %sub3A_403 : f32 to vector<16xf32>
      %sub3A_405 = arith.subf %add3A_402, %sub3A_404 : vector<16xf32>
      %neg3A_406 = arith.constant 0.000000e+00 : f32
      %neg3A_407 = vector.broadcast %neg3A_406 : f32 to vector<16xf32>
      %neg3A_408 = arith.subf %neg3A_407, %add3A_402 : vector<16xf32>
      %exp3A_409 = math.exp %neg3A_408 : vector<16xf32>
      %mul3A_410 = arith.mulf %add3A_372, %exp3A_409 : vector<16xf32>
      %add3A_411 = arith.addf %sub3A_405, %mul3A_410 : vector<16xf32>
      %add3A_412 = arith.addf %max3A_364, %add3A_411 : vector<16xf32>
      %eq3A_413 = arith.constant 6 : i32
      %eq3A_414 = vector.broadcast %eq3A_413 : i32 to vector<16xi32>
      %eq3A_415 = arith.cmpi eq, %gather3A_301, %eq3A_414 : vector<16xi32>
      %select_n3A_416 = arith.select %eq3A_415, %add3A_412, %select_n3A_361 : vector<16xi1>, vector<16xf32>
      %eq3A_417 = arith.constant 7 : i32
      %eq3A_418 = vector.broadcast %eq3A_417 : i32 to vector<16xi32>
      %eq3A_419 = arith.cmpi eq, %gather3A_301, %eq3A_418 : vector<16xi32>
      %abs3A_420 = math.absf %add3A_300 : vector<16xf32>
      %select_n3A_421 = arith.select %eq3A_419, %abs3A_420, %select_n3A_416 : vector<16xi1>, vector<16xf32>
      %swap3A_422 = arith.constant 0 : index
      %swap3A_423 = tpu.vector_load %arg14[%swap3A_422] {strides = array<i32>} : memref<16xf32, #tpu.memory_space<vmem>>, vector<16xf32>,
      tpu.vector_store %arg14[%swap3A_422], %select_n3A_421 {strides = array<i32>} : memref<16xf32, #tpu.memory_space<vmem>>, vector<16xf32>,
      "tpu.region"() ({
        %run_scoped3A = tpu.sem_alloc : memref<!tpu.dma_semaphore, #tpu.memory_space<semaphore_mem>>
        tpu.enqueue_dma source(%arg14 : memref<16xf32, #tpu.memory_space<vmem>>) target(%arg9 : memref<16xf32, #tpu.memory_space<hbm>>) target_semaphore(%run_scoped3A : memref<!tpu.dma_semaphore, #tpu.memory_space<semaphore_mem>>)
        tpu.wait_dma2 semaphore(%run_scoped3A : memref<!tpu.dma_semaphore, #tpu.memory_space<semaphore_mem>>) src(%arg14 : memref<16xf32, #tpu.memory_space<vmem>>) dst(%arg9 : memref<16xf32, #tpu.memory_space<hbm>>)
        tpu.yield
      }) : () -> ()
    } else {
    }
    return
  }
}

</mosaic_0001>

<sc_bundles>
// kernel: kernel.3.cloned.1.call-start
scs
__scs_entry_jumppad:
0x0: {  	(pc) =	sbr.rel $0x88, $3  }
0x1: {  	(tag) =	ssettag $0x0;
	lr =	simm.s32 $0x1  }
0x2: {  	[smem:$0x3F9A] =	sst lr;
	_ =	strace $0xD0000000  }
0x3: {  	_ = 	snop  }
0x4: {  	_ = 	snop  }
0x5: {  	_ = 	snop  }
0x6: {  	_ = 	snop  }
0x7: {  	_ = 	snop  }
__scs_overlays_trampoline_lowered:
0x8: {  	[smem:$0x3FA9] =	sst s0  }
0x9: {  	[smem:$0x3FAA] =	sst s1  }
0xa: {  	[smem:$0x3FAB] =	sst s2  }
0xb: {  	[smem:$0x3FAC] =	sst s3  }
0xc: {  	[smem:$0x3FAD] =	sst s4  }
0xd: {  	[smem:$0x3FAE] =	sst s5  }
0xe: {  	[smem:$0x3FAF] =	sst s6  }
0xf: {  	[smem:$0x3FB0] =	sst s7  }
0x10: {  	[smem:$0x3FB1] =	sst s8  }
0x11: {  	[smem:$0x3FB2] =	sst s9;
	s0 =	simm.s32 @!p0 $0x0  }
0x12: {  	s1 =	sld [smem:$0x3F98];
	s0 =	simm.s32 @p0 $0x1  }
0x13: {  	[smem:$0x3FB3] =	sst s0;
	s0 =	simm.s32 @!p1 $0x0  }
0x14: {  	s2 =	sld [smem:$0x3F97];
	s0 =	simm.s32 @p1 $0x1  }
0x15: {  	[smem:$0x3FB4] =	sst s0;
	s0 =	simm.s32 @!p2 $0x0  }
0x16: {  	s3 =	sld [smem:$0x3FDB];
	s0 =	simm.s32 @p2 $0x1  }
0x17: {  	s4 =	simm.s32 $0x1BF5;
	[smem:$0x3FB6] =	sst s0  }
0x18: {  	s0 =	sld [smem:$0x3F99];
	_ =	swait.ge [sflag:s4], $0x0  }
0x19: {  	s7 =	sld [smem:$0x3F9A]  }
0x1a: {  	s8 =	sadd.s32 $0xFFFFE003, lr  }
0x1b: {  	s9 =	sadd.s32 $0xFFFFFEF7, lr;
	s5 =	simm.s32 $0xFFFFFFFF;
	p2 =	slt.u32 s8, $0xFFFFF086  }
0x1c: {  	p1 =	slt.u32 s9, $0xF7A;
	s5 =	simm.s32 @!p2 $0x0  }
0x1d: {  	s5 =	simm.s32 @p1 $0x1;
	p0 =	seq.s32 s7, s2  }
0x1e: {  	s7 =	smul.u32 @!p0 $0xF7A, s2;
	p2 =	seq.s32 @!p0 s5, $0x0  }
0x1f: {  	s9 =	smul.u32 $0xF7A, s1;
	s8 =	simm.s32 @!p0 $0x1BF5;
	p2 =	por !p2, p0  }
0x20: {  	[sflag:s8] =	ssyncset.s32 @!p0 $0xFFFFF086;
	s6 =	sadd.s32 @!p0 s3, s7;
	s7 =	simm.s32 @!p0 $0x108  }
0x21: {  	s3 =	sadd.s32 s3, s9;
	s6 =	sadd.s32 @!p0 $0x88, s6;
	s7 =	simm.s32 @p2 $0x1082  }
0x22: {  	[simem:s7], [sflag:s8] =	dma.local @!p0 [hbm:s6], $0xF7A  }
0x23: {  	s9 =	sor.u32 $0xD0000000, s2;
	s6 =	simm.s32 $0x108;
	_ =	swait.ge @!p0 [sflag:s8], $0x0  }
0x24: {  	s3 =	sadd.s32 $0x88, s3;
	s6 =	simm.s32 @!p1 $0x1082;
	[sflag:s4] =	ssyncset.s32 $0xFFFFF086  }
0x25: {  	[simem:s6], [sflag:s4] =	dma.local [hbm:s3], $0xF7A  }
0x26: {  	[smem:$0x3F9A] =	sst s1;
	(tag) =	ssettag s2;
	_ =	strace s9  }
0x27: {  	s1 =	sld [smem:$0x3FAA]  }
0x28: {  	s2 =	sld [smem:$0x3FAB]  }
0x29: {  	s4 =	sld [smem:$0x3FAD]  }
0x2a: {  	p0 =	seq.s32 s5, $0x0;
	s5 =	sld [smem:$0x3FAE]  }
0x2b: {  	s6 =	sld [smem:$0x3FAF]  }
0x2c: {  	s7 =	sld [smem:$0x3FB0]  }
0x2d: {  	s3 =	simm.s32 $0x108;
	s8 =	sld [smem:$0x3FB1]  }
0x2e: {  	s3 =	simm.s32 @!p0 $0x1082;
	s9 =	sld [smem:$0x3FB2]  }
0x2f: {  	lr =	sadd.s32 s0, s3;
	s0 =	sld [smem:$0x3FA9]  }
0x30: {  	s3 =	sld [smem:$0x3FAC]  }
0x31: {  	[smem:$0x3FB5] =	sst s10  }
0x32: {  	s10 =	sld [smem:$0x3FB3];
	_ =	sdelay $0x3  }
0x33: {  	p0 =	seq.s32 s10, $0x1;
	s10 =	sld [smem:$0x3FB5];
	_ =	sdelay $0x3  }
0x34: {  	[smem:$0x3FB5] =	sst s10  }
0x35: {  	s10 =	sld [smem:$0x3FB4];
	_ =	sdelay $0x3  }
0x36: {  	p1 =	seq.s32 s10, $0x1;
	s10 =	sld [smem:$0x3FB5];
	_ =	sdelay $0x3  }
0x37: {  	[smem:$0x3FB5] =	sst s10  }
0x38: {  	s10 =	sld [smem:$0x3FB6]  }
0x39: {  	_ = 	snop;
	(pc) =	sbr.ind lr, $3  }
0x3a: {  	_ = 	snop  }
0x3b: {  	_ = 	snop  }
0x3c: {  	p2 =	seq.s32 s10, $0x1;
	s10 =	sld [smem:$0x3FB5]  }
0x3d: {  	_ =	shalt  }
0x3e: {  	_ =	shalt  }
0x3f: {  	_ =	shalt  }
0x40: {  	_ =	shalt  }
0x41: {  	_ =	shalt  }
0x42: {  	_ =	shalt  }
0x43: {  	_ =	shalt  }
0x44: {  	_ =	shalt  }
0x45: {  	_ =	shalt  }
0x46: {  	_ =	shalt  }
0x47: {  	_ =	shalt  }
0x48: {  	_ =	shalt  }
0x49: {  	_ =	shalt  }
0x4a: {  	_ =	shalt  }
0x4b: {  	_ =	shalt  }
0x4c: {  	_ =	shalt  }
0x4d: {  	_ =	shalt  }
0x4e: {  	_ =	shalt  }
0x4f: {  	_ =	shalt  }
0x50: {  	_ =	shalt  }
0x51: {  	_ =	shalt  }
0x52: {  	_ =	shalt  }
0x53: {  	_ =	shalt  }
0x54: {  	_ =	shalt  }
0x55: {  	_ =	shalt  }
0x56: {  	_ =	shalt  }
0x57: {  	_ =	shalt  }
0x58: {  	_ =	shalt  }
0x59: {  	_ =	shalt  }
0x5a: {  	_ =	shalt  }
0x5b: {  	_ =	shalt  }
0x5c: {  	_ =	shalt  }
0x5d: {  	_ =	shalt  }
0x5e: {  	_ =	shalt  }
0x5f: {  	_ =	shalt  }
0x60: {  	_ =	shalt  }
0x61: {  	_ =	shalt  }
0x62: {  	_ =	shalt  }
0x63: {  	_ =	shalt  }
0x64: {  	_ =	shalt  }
0x65: {  	_ =	shalt  }
0x66: {  	_ =	shalt  }
0x67: {  	_ =	shalt  }
0x68: {  	_ =	shalt  }
0x69: {  	_ =	shalt  }
0x6a: {  	_ =	shalt  }
0x6b: {  	_ =	shalt  }
0x6c: {  	_ =	shalt  }
0x6d: {  	_ =	shalt  }
0x6e: {  	_ =	shalt  }
0x6f: {  	_ =	shalt  }
0x70: {  	_ =	shalt  }
0x71: {  	_ =	shalt  }
0x72: {  	_ =	shalt  }
0x73: {  	_ =	shalt  }
0x74: {  	_ =	shalt  }
0x75: {  	_ =	shalt  }
0x76: {  	_ =	shalt  }
0x77: {  	_ =	shalt  }
0x78: {  	_ =	shalt  }
0x79: {  	_ =	shalt  }
0x7a: {  	_ =	shalt  }
0x7b: {  	_ =	shalt  }
0x7c: {  	_ =	shalt  }
0x7d: {  	_ =	shalt  }
0x7e: {  	_ =	shalt  }
0x7f: {  	_ =	shalt  }
0x80: {  	_ =	shalt  }
0x81: {  	_ =	shalt  }
0x82: {  	_ =	shalt  }
0x83: {  	_ =	shalt  }
0x84: {  	_ =	shalt  }
0x85: {  	_ =	shalt  }
0x86: {  	_ =	shalt  }
0x87: {  	_ =	shalt  }
.Lfunc_end0:
.L_simem_size_0:
called_computation_lowered:
.L_overlay_start_0:
0x88: {  	s0 =	sld [smem:$0x3FD9]  }
0x89: {  	s1 =	sld [smem:$0x3FFE];
	_ =	sdelay $0x3  }
0x8a: {  	s0 =	sadd.s32 s1, s0  }
0x8b: {  	[smem:$0x3FC1] =	sst s0  }
0x8c: {  	_ = 	snop  }
0x8d: {  	s0 =	sld [smem:$0x3FC9]  }
0x8e: {  	s16 =	sld [smem:$0x3FC8]  }
0x8f: {  	s2 =	sld [smem:$0x3FC7]  }
0x90: {  	s3 =	sld [smem:$0x3FC6]  }
0x91: {  	s4 =	sld [smem:$0x3FC5]  }
0x92: {  	s5 =	sld [smem:$0x3FC4]  }
0x93: {  	s6 =	sld [smem:$0x3FD0];
	(tm) =	ssettm $0x1  }
0x94: {  	s7 =	sld [smem:$0x3FFB];
	_ =	sdelay $0x3  }
0x95: {  	_ =	strace s7  }
0x96: {  	s7 =	sld [smem:$0x3FFC];
	_ =	sdelay $0x3  }
0x97: {  	_ =	strace s7  }
0x98: {  	s7 =	sld [smem:$0x3FFD];
	_ =	sdelay $0x3  }
0x99: {  	_ =	strace s7  }
0x9a: {  	_ =	strace $0x8FFFFFFF  }
0x9b: {  	s17 =	sld [smem:$0x3FDB];
	_ =	sdelay $0x1  }
0x9c: {  	s8 =	simm.s32 $_scs_section_size  }
0x9d: {  	s9 =	simm.s32 $_size__tile_overlayer_lowered;
	s10 =	simm.s32 $_tile_overlayer_lowered  }
0x9e: {  	s20 =	simm.s32 $0x1BFF;
	s19 =	sshll.u32 s10, $0x1;
	s7 =	sadd.s32 s8, s17  }
0x9f: {  	s11 =	simm.s32 $0x0;
	s18 =	sshll.u32 s9, $0x1;
	s9 =	sadd.s32 s19, s7  }
0xa0: {  	[timem:s11], [sflag:s20] =	dma.local [hbm:s9], s18  }
0xa1: {  	_ =	swait.ge [sflag:s20], s18  }
0xa2: {  	s8 =	ssub.s32 $0x0, s18;
	[sflag:s20] =	ssyncset.done $0x0  }
0xa3: {  	[sflag:s20] =	ssyncadd.s32 s8;
	_ =	sdelay $0x1  }
0xa4: {  	s21 =	simm.s32 $0x1B8B  }
0xa5: {  	_ =	swait.ge [sflag:s21], $0x1  }
0xa6: {  	[sflag:s21] =	ssyncset.done $0x0  }
0xa7: {  	s23 =	simm.s32 $0x1B8E;
	s22 =	sld [smem:$0x3FFE];
	[sflag:s21] =	ssyncadd.s32 $0xFFFFFFFF  }
0xa8: {  	s24 =	simm.s32 $execute0_lowered;
	[smem:$0x3FD2] =	sst s23  }
0xa9: {  	s9 =	sshll.u32 s24, $0x1;
	_ =	strace $0x80000046;
	[dreg:$0x1] =	wrdreg $0xFFFFFFFF  }
0xaa: {  	s25 =	simm.s32 $_size_execute0_lowered;
	s7 =	sadd.s32 s7, s9;
	[dreg:$0x0] =	wrdreg $0x0  }
0xab: {  	s9 =	sshll.u32 s25, $0x1;
	[dreg:$0x2] =	wrdreg s7  }
0xac: {  	[dreg:$0x3] =	wrdreg s9  }
0xad: {  	[dreg:$0x4] =	wrdreg $0xC0  }
0xae: {  	_ =	task [dreg:s11], $0x5FFFF  }
0xaf: {  	[dreg:$0x1] =	wrdreg $0xFFFFFFFF  }
0xb0: {  	[dreg:$0x0] =	wrdreg $0x60  }
0xb1: {  	[dreg:$0x2] =	wrdreg s0  }
0xb2: {  	[dreg:$0x3] =	wrdreg s16  }
0xb3: {  	[dreg:$0x4] =	wrdreg s3  }
0xb4: {  	[dreg:$0x5] =	wrdreg s4  }
0xb5: {  	[dreg:$0x6] =	wrdreg s22  }
0xb6: {  	[dreg:$0x7] =	wrdreg s2  }
0xb7: {  	[dreg:$0x8] =	wrdreg s5  }
0xb8: {  	[dreg:$0x9] =	wrdreg s6  }
0xb9: {  	[dreg:$0xa] =	wrdreg $0x16B000  }
0xba: {  	[dreg:$0xb] =	wrdreg $0x9  }
0xbb: {  	_ =	task.clear_ibuf [dreg:s11], $0xCFFFF;
	_ =	strace $0x90000046  }
0xbc: {  	s26 =	simm.s32 $0x9;
	_ =	strace $0x80000048  }
0xbd: {  	_ =	swait.ge [sflag:s26], $0x1  }
0xbe: {  	[sflag:s26] =	ssyncadd.s32 $0xFFFFFFFF  }
0xbf: {  	_ =	strace $0x90000048  }
0xc0: {  	_ =	sfence  }
0xc1: {  	s28 =	sld [smem:$0x0];
	_ =	sdelay $0x1  }
0xc2: {  	s29 =	srdreg.scid  }
0xc3: {  	s30 =	sshll.u32 s29, $0xD;
	s31 =	sshrl.u32 s29, $0x2  }
0xc4: {  	s1 =	sand.u32 $0x1, s29;
	s2 =	sand.u32 $0x4000, s30;
	s0 =	sadd.s32 s31, s28  }
0xc5: {  	s1 =	sor.u32 s2, s1;
	s0 =	sshll.u32 s0, $0x11  }
0xc6: {  	s0 =	sor.u32 s0, s1  }
0xc7: {  	s0 =	sadd.s32 $0x8F2B, s0  }
0xc8: {  	[sflag:s0] =	ssyncadd.remote.s32 $0x1  }
0xc9: {  	_ =	sfence.sel $0xFFFF  }
0xca: {  	[dreg:$0x0] =	wrdreg $0xFFFFFFFF;
	(pc) =	sbr.abs _section_cstart, $3  }
0xcb: {  	[dreg:$0x1] =	wrdreg $0xFFFFFFFF  }
0xcc: {  	_ =	task.clear_ibuf [dreg:s11], $0x2FFFF;
	_ =	strace $0x9FFFFFFF  }
0xcd: {  	(tm) =	ssettm $0x7FFFFFFF  }
tec
execute0_lowered:
.L_overlay_start_1:
0x0: {  	(tag) =	ssettag $0x1  }
0x1: {  	s5 =	rddreg [dreg:$0x0]  }
0x2: {  	s6 =	rddreg [dreg:$0x1]  }
0x3: {  	s7 =	rddreg [dreg:$0x2]  }
0x4: {  	s8 =	rddreg [dreg:$0x3]  }
0x5: {  	s9 =	rddreg [dreg:$0x4]  }
0x6: {  	s10 =	rddreg [dreg:$0x5]  }
0x7: {  	s11 =	rddreg [dreg:$0x6]  }
0x8: {  	s1 =	rddreg [dreg:$0x7];
	s3 =	stileid.u32  }
0x9: {  	s2 =	rddreg [dreg:$0x8];
	s12 =	smul.u32 $0x4E20, s3  }
0xa: {  	s0 =	rddreg [dreg:$0x9];
	s4 =	simm.s32 $0x0  }
0xb: {  	[smem:$0x7FF] =	sst s4;
	s12 =	sshrl.u32 s12, $0x3  }
0xc: {  	s13 =	simm.s32 $0x7600;
	_ =	strace $0x80000047;
	s8 =	sadd.s32 s8, s12  }
0xd: {  	[tilespmem:s13], [sflag:$0x4] =	stream.linear.gather [hbm4b:s8+s4], $0x1380, $0x38;
	[tilespmem:$0x16B10] =	vst v63  }
0xe: {  	s14 =	simm.s32 $0x8980;
	s31 =	sadd.s32 $0x270, s8  }
0xf: {  	[tilespmem:s14], [sflag:$0x5] =	stream.linear.gather [hbm4b:s31+s4], $0x1380, $0x38;
	[tilespmem:$0x16B10] =	vst v63  }
0x10: {  	s16 =	simm.s32 $0x9D00;
	s15 =	sadd.s32 $0x4E0, s8  }
0x11: {  	[tilespmem:s16], [sflag:$0x6] =	stream.linear.gather [hbm4b:s15+s4], $0x1380, $0x38;
	[tilespmem:$0x16B10] =	vst v63  }
0x12: {  	s18 =	simm.s32 $0xB080;
	s17 =	sadd.s32 $0x750, s8  }
0x13: {  	[tilespmem:s18], [sflag:$0x7] =	stream.linear.gather [hbm4b:s17+s4], $0x1380, $0x38;
	[tilespmem:$0x16B10] =	vst v63  }
0x14: {  	s19 =	simm.s32 $0xC400;
	s8 =	sadd.s32 $0x9C0, s8  }
0x15: {  	[tilespmem:s19], [sflag:$0x7] =	stream.linear.gather [hbm4b:s8+s4], $0x20, $0x38;
	[tilespmem:$0x16B10] =	vst v63  }
0x16: {  	s20 =	simm.s32 $0x2780;
	s7 =	sadd.s32 s7, s12  }
0x17: {  	[tilespmem:s20], [sflag:$0x1] =	stream.linear.gather [hbm4b:s7+s4], $0x4E20, $0x38;
	[tilespmem:$0x16B10] =	vst v63  }
0x18: {  	s21 =	simm.s32 $0xC480;
	s6 =	sadd.s32 s6, s12  }
0x19: {  	[tilespmem:s21], [sflag:$0x1] =	stream.linear.gather [hbm4b:s6+s4], $0x4E20, $0x38;
	[tilespmem:$0x16B10] =	vst v63  }
0x1a: {  	_ = 	snop  }
0x1b: {  	[tilespmem:s4], [sflag:$0x1] =	stream.linear.gather [hbm4b:s5+s4], $0x2780, $0x38;
	[tilespmem:$0x16B10] =	vst v63  }
0x1c: {  	s23 =	simm.s32 $0x11380;
	s22 =	sadd.s32 $0x400, s9;
	p0 =	sne.s32 s3, $0x0  }
0x1d: {  	[tilespmem:s23], [sflag:$0x2] =	stream.linear.gather [hbm4b:s22+s4], $0x80, $0x38;
	[tilespmem:$0x16B10] =	vst v63  }
0x1e: {  	s7 =	simm.s32 @!p0 $0x11400;
	s5 =	simm.s32 @!p0 $0x0  }
0x1f: {  	[tilespmem:s7], [sflag:$0x3] =	stream.linear.gather @!p0 [hbm4b:s10+s5], $0x2780, $0x38;
	[tilespmem:$0x16B10] =	vst v63  }
0x20: {  	s24 =	simm.s32 $0x2;
	s7 =	simm.s32 @!p0 $0x13B80  }
0x21: {  	v0 =	vimm.s32 $0x1;
	[tilespmem:s7], [sflag:$0x3] =	stream.linear.gather @!p0 [hbm4b:s11+s5], $0x2780, $0x38;
	[tilespmem:$0x16B10] =	vst v63  }
0x22: {  	v1 =	vimm.s32 $0x2;
	_ =	swait.ge [sflag:s24], $0x80  }
0x23: {  	v4 =	vimm.s32 $0x3;
	[sflag:s24] =	ssyncset.done $0x0  }
0x24: {  	[sflag:s24] =	ssyncadd.s32 $0xFFFFFF80  }
0x25: {  	v3 =	vld.msk [tilespmem:s23+$0x0], $0xffff  }
0x26: {  	v2 =	vld.idx.msk [tilespmem:v0+s23+$0x0], $0xffff  }
0x27: {  	s25 =	simm.s32 $0x4;
	v1 =	vld.idx.msk [tilespmem:v1+s23+$0x0], $0xffff  }
0x28: {  	v0 =	vld.idx.msk [tilespmem:v4+s23+$0x0], $0xffff;
	_ =	swait.ge [sflag:s25], $0x1380  }
0x29: {  	[sflag:s25] =	ssyncset.done $0x0  }
0x2a: {  	s26 =	simm.s32 $0x7620;
	[sflag:s25] =	ssyncadd.s32 $0xFFFFEC80  }
0x2b: {  	v6 =	vld [tilespmem:s26+$0xFFFFFFE0]  }
0x2c: {  	v7 =	vld [tilespmem:s26+$0xFFFFFFF0];
	vm0 =	vgt.s32 v3, v2  }
0x2d: {  	v8 =	vld [tilespmem:s26+$0x0];
	vm1 =	vgt.s32 v1, v0;
	v4 =	vsel vm0, v2, v3  }
0x2e: {  	v11 =	vld [tilespmem:s26+$0x10];
	v5 =	vsel vm1, v0, v1;
	v9 =	vsel vm0, v3, v2;
	v10 =	vsel vm1, v1, v0  }
0x2f: {  	vm11 =	vlt.s32 v4, v5;
	vm1 =	vgt.s32 v9, v10  }
0x30: {  	v4 =	vsel vm11, v4, v5;
	v5 =	vsel vm1, v9, v10  }
0x31: {  	v5 =	vsub.s32 v5, v4;
	v6 =	vsub.s32 v6, v4;
	v7 =	vsub.s32 v7, v4  }
0x32: {  	vm12 =	vle.u32 v6, v5;
	vm13 =	vle.u32 v7, v5;
	v6 =	vsub.s32 v8, v4  }
0x33: {  	vm0 =	vmor vm12, vm13;
	vm14 =	vle.u32 v6, v5;
	v6 =	vsub.s32 v11, v4  }
0x34: {  	s28 =	simm.s32 $0x7660;
	vm0 =	vmor vm0, vm14;
	vm15 =	vle.u32 v6, v5  }
0x35: {  	v9 =	vld [tilespmem:s28+$0xFFFFFFF0];
	v6 =	vimm.f32 $0.0e+00;
	vm0 =	vmor vm0, vm15  }
0x36: {  	v7 =	vld [tilespmem:s28+$0xFFFFFFE0];
	v8 =	vsel vm0, $0x3F800000, v6  }
0x37: {  	s29 =	simm.s32 $0x76A0;
	(xrf0) =	vmax.scan.msk.f32 $0xffff, v8;
	v8 =	vld [tilespmem:s28+$0x0]  }
0x38: {  	v12 =	vld [tilespmem:s29+$0xFFFFFFF0]  }
0x39: {  	v10 =	vld [tilespmem:s28+$0x10]  }
0x3a: {  	v11 =	vld [tilespmem:s29+$0xFFFFFFE0];
	v9 =	vsub.s32 v9, v4  }
0x3b: {  	v13 =	vld [tilespmem:s29+$0x0];
	v7 =	vsub.s32 v7, v4  }
0x3c: {  	vm5 =	vle.u32 v9, v5;
	vm4 =	vle.u32 v7, v5;
	v7 =	vsub.s32 v8, v4;
	v8 =	vld [tilespmem:s29+$0x10]  }
0x3d: {  	vm0 =	vmor vm4, vm5;
	v9, _, _ =	vpop (xrf0);
	vm6 =	vle.u32 v7, v5  }
0x3e: {  	v7 =	vsub.s32 v10, v4;
	(v2sf) =	vpush v9, $0xF;
	vm0 =	vmor vm0, vm6  }
0x3f: {  	s30 =	simm.s32 $0x76E0;
	vm7 =	vle.u32 v7, v5;
	v7 =	vsub.s32 v11, v4;
	v9 =	vsub.s32 v12, v4  }
0x40: {  	v10 =	vld [tilespmem:s30+$0xFFFFFFE0];
	vm2 =	vle.u32 v7, v5;
	vm3 =	vle.u32 v9, v5;
	v7 =	vsub.s32 v13, v4  }
0x41: {  	vm2 =	vmor vm2, vm3;
	vm8 =	vle.u32 v7, v5;
	v7 =	vsub.s32 v8, v4;
	v8 =	vld [tilespmem:s30+$0x0]  }
0x42: {  	v11 =	vld [tilespmem:s30+$0x10];
	vm0 =	vmor vm0, vm7;
	vm9 =	vmor vm2, vm8;
	vm10 =	vle.u32 v7, v5  }
0x43: {  	v7 =	vsel vm0, $0x3F800000, v6;
	vm11 =	vmor vm9, vm10  }
0x44: {  	(xrf0) =	vmax.scan.msk.f32 $0xffff, v7;
	v7 =	vsel vm11, $0x3F800000, v6  }
0x45: {  	(xrf0) =	vmax.scan.msk.f32 $0xffff, v7;
	v7 =	vsub.s32 v10, v4  }
0x46: {  	vm12 =	vle.u32 v7, v5;
	v7 =	vsub.s32 v8, v4  }
0x47: {  	vm14 =	vle.u32 v7, v5;
	v7 =	vsub.s32 v11, v4  }
0x48: {  	v9 =	vld [tilespmem:s30+$0xFFFFFFF0];
	_ =	sdelay $0x1  }
0x49: {  	vm15 =	vle.u32 v7, v5;
	v7, _, _ =	vpop (xrf0)  }
0x4a: {  	(v2sf) =	vpush v7, $0xF;
	v11, _, _ =	vpop (xrf0)  }
0x4b: {  	s31 =	simm.s32 $0x7720;
	(v2sf) =	vpush v11, $0xF  }
0x4c: {  	v63 =	vld [tilespmem:s31+$0xFFFFFFF0];
	v9 =	vsub.s32 v9, v4  }
0x4d: {  	v10 =	vld [tilespmem:s31+$0xFFFFFFE0];
	vm13 =	vle.u32 v9, v5  }
0x4e: {  	vm0 =	vmor vm12, vm13;
	v7 =	vld [tilespmem:s31+$0x0]  }
0x4f: {  	s3 =	sshll.u32 s3, $0x7;
	s9 =	simm.s32 $0x2;
	v8 =	vld [tilespmem:s31+$0x10];
	vm0 =	vmor vm0, vm14  }
0x50: {  	s3 =	sadd.s32 s3, s2;
	s12 =	simm.s32 $0x7760;
	s8 =	simm.s32 $0x1;
	vm0 =	vmor vm0, vm15  }
0x51: {  	s6 =	simm.s32 $0x4;
	s10 =	simm.s32 $0x0;
	s5 =	simm.s32 $0x1;
	v9 =	vsel vm0, $0x3F800000, v6  }
0x52: {  	s7 =	simm.s32 $0x3;
	s11 =	simm.s32 $0x5;
	(xrf0) =	vmax.scan.msk.f32 $0xffff, v9;
	v9 =	vsub.s32 v10, v4;
	v10 =	vsub.s32 v63, v4;
	s13 =	spop (v2sf)  }
.LBB2_1:
0x53: {  	v11 =	vld [tilespmem:s12+$0xFFFFFFE0];
	vm0 =	vle.u32 v9, v5;
	vm1 =	vle.u32 v10, v5;
	v7 =	vsub.s32 v7, v4;
	p2 =	sgt.f32 s13, $0.0e+00;
	s13 =	smov.u32 s11  }
0x54: {  	s11 =	sadd.s32 $0x1, s11;
	v10 =	vld [tilespmem:s12+$0xFFFFFFF0];
	vm0 =	vmor vm0, vm1;
	vm1 =	vle.u32 v7, v5;
	v8 =	vsub.s32 v8, v4  }
0x55: {  	p1 =	sne.s32 s11, $0x4E;
	[smem:s10] =	sst @p2 s4;
	s4 =	simm.s32 $0x1  }
.Ltmp0:
0x56: {  	v7 =	vld [tilespmem:s12+$0x0];
	vm0 =	vmor vm0, vm1;
	vm1 =	vle.u32 v8, v5;
	s4 =	simm.s32 @!p2 $0x0;
	(pc) =	sbr.rel @p1 .LBB2_1-.Ltmp0, $4  }
0x57: {  	vm0 =	vmor vm0, vm1;
	v8 =	vld [tilespmem:s12+$0x10];
	s10 =	sadd.s32 s4, s10;
	s4 =	smov.u32 s8;
	s8 =	smov.u32 s9  }
0x58: {  	v9 =	vsel vm0, $0x3F800000, v6;
	s9 =	smov.u32 s7;
	s7 =	smov.u32 s6;
	s6 =	smov.u32 s13;
	v12, _, _ =	vpop (xrf0)  }
0x59: {  	(xrf0) =	vmax.scan.msk.f32 $0xffff, v9;
	(v2sf) =	vpush v12, $0xF  }
0x5a: {  	s12 =	sadd.s32 $0x40, s12;
	v9 =	vsub.s32 v11, v4;
	v10 =	vsub.s32 v10, v4;
	s13 =	spop (v2sf)  }
0x5b: {  	vm0 =	vle.u32 v9, v5;
	vm1 =	vle.u32 v10, v5;
	v7 =	vsub.s32 v7, v4  }
0x5c: {  	vm0 =	vmor vm0, vm1;
	vm10 =	vle.u32 v7, v5;
	v7 =	vsub.s32 v8, v4  }
0x5d: {  	vm0 =	vmor vm0, vm10;
	vm11 =	vle.u32 v7, v5  }
0x5e: {  	vm0 =	vmor vm0, vm11  }
0x5f: {  	v6 =	vsel vm0, $0x3F800000, v6  }
0x60: {  	(xrf0) =	vmax.scan.msk.f32 $0xffff, v6;
	_ =	sdelay $0x3  }
0x61: {  	v6, _, _ =	vpop (xrf0)  }
0x62: {  	(v2sf) =	vpush v6, $0xF  }
0x63: {  	v6, _, _ =	vpop (xrf0)  }
0x64: {  	(v2sf) =	vpush v6, $0xF;
	_ =	sdelay $0x7  }
0x65: {  	p1 =	sgt.f32 s13, $0.0e+00  }
0x66: {  	s11 =	spop (v2sf)  }
0x67: {  	p2 =	sgt.f32 s11, $0.0e+00;
	[smem:s10] =	sst @p1 s4;
	s4 =	simm.s32 $0x1  }
0x68: {  	s11 =	simm.s32 $0x1;
	s4 =	simm.s32 @!p1 $0x0;
	s12 =	spop (v2sf)  }
0x69: {  	s11 =	simm.s32 @!p2 $0x0;
	s4 =	sadd.s32 s4, s10;
	p1 =	sgt.f32 s12, $0.0e+00  }
0x6a: {  	[smem:s4] =	sst @p2 s8;
	s4 =	sadd.s32 s11, s4;
	s23 =	spop (v2sf)  }
0x6b: {  	[smem:s4] =	sst @p1 s9;
	s9 =	simm.s32 $0x1;
	p2 =	sgt.f32 s23, $0.0e+00  }
0x6c: {  	s8 =	simm.s32 $0x1;
	s9 =	simm.s32 @!p1 $0x0;
	s24 =	spop (v2sf)  }
0x6d: {  	s4 =	sadd.s32 s9, s4;
	s8 =	simm.s32 @!p2 $0x0;
	p1 =	sgt.f32 s24, $0.0e+00  }
0x6e: {  	[smem:s4] =	sst @p2 s7;
	s4 =	sadd.s32 s8, s4  }
0x6f: {  	s25 =	simm.s32 $0x5;
	[smem:s4] =	sst @p1 s6  }
0x70: {  	_ =	swait.ge [sflag:s25], $0x1380  }
0x71: {  	[sflag:s25] =	ssyncset.done $0x0  }
0x72: {  	s26 =	simm.s32 $0x89B0;
	[sflag:s25] =	ssyncadd.s32 $0xFFFFEC80  }
0x73: {  	v6 =	vld [tilespmem:s26+$0xFFFFFFD0]  }
0x74: {  	v7 =	vld [tilespmem:s26+$0xFFFFFFE0]  }
0x75: {  	v8 =	vld [tilespmem:s26+$0xFFFFFFF0]  }
0x76: {  	v9 =	vld [tilespmem:s26+$0x0];
	_ =	sdelay $0x2  }
0x77: {  	v6 =	vsub.s32 v6, v4;
	v7 =	vsub.s32 v7, v4  }
0x78: {  	vm12 =	vle.u32 v6, v5;
	vm13 =	vle.u32 v7, v5;
	v6 =	vsub.s32 v8, v4  }
0x79: {  	vm0 =	vmor vm12, vm13;
	vm14 =	vle.u32 v6, v5;
	v6 =	vsub.s32 v9, v4  }
0x7a: {  	s28 =	simm.s32 $0x89F0;
	vm0 =	vmor vm0, vm14;
	vm15 =	vle.u32 v6, v5  }
0x7b: {  	v9 =	vld [tilespmem:s28+$0xFFFFFFE0];
	v6 =	vimm.f32 $0.0e+00;
	vm0 =	vmor vm0, vm15  }
0x7c: {  	v7 =	vld [tilespmem:s28+$0xFFFFFFD0];
	v8 =	vsel vm0, $0x3F800000, v6  }
0x7d: {  	(xrf0) =	vmax.scan.msk.f32 $0xffff, v8;
	v8 =	vld [tilespmem:s28+$0xFFFFFFF0]  }
0x7e: {  	s29 =	simm.s32 $0x8A30;
	v10 =	vld [tilespmem:s28+$0x0]  }
0x7f: {  	v11 =	vld [tilespmem:s29+$0xFFFFFFD0]  }
0x80: {  	v12 =	vld [tilespmem:s29+$0xFFFFFFE0];
	v9 =	vsub.s32 v9, v4  }
0x81: {  	v13 =	vld [tilespmem:s29+$0xFFFFFFF0];
	v7 =	vsub.s32 v7, v4  }
0x82: {  	vm4 =	vle.u32 v7, v5;
	vm5 =	vle.u32 v9, v5;
	v7 =	vsub.s32 v8, v4;
	v8 =	vld [tilespmem:s29+$0x0]  }
0x83: {  	vm0 =	vmor vm4, vm5;
	v9, _, _ =	vpop (xrf0);
	vm6 =	vle.u32 v7, v5  }
0x84: {  	v7 =	vsub.s32 v10, v4;
	(v2sf) =	vpush v9, $0xF;
	vm0 =	vmor vm0, vm6  }
0x85: {  	s30 =	simm.s32 $0x8A70;
	vm7 =	vle.u32 v7, v5;
	v7 =	vsub.s32 v11, v4;
	v9 =	vsub.s32 v12, v4  }
0x86: {  	v10 =	vld [tilespmem:s30+$0xFFFFFFD0];
	vm2 =	vle.u32 v7, v5;
	vm3 =	vle.u32 v9, v5;
	v7 =	vsub.s32 v13, v4  }
0x87: {  	vm2 =	vmor vm2, vm3;
	vm8 =	vle.u32 v7, v5;
	v7 =	vsub.s32 v8, v4;
	v8 =	vld [tilespmem:s30+$0xFFFFFFF0]  }
0x88: {  	v11 =	vld [tilespmem:s30+$0x0];
	vm0 =	vmor vm0, vm7;
	vm9 =	vmor vm2, vm8;
	vm10 =	vle.u32 v7, v5  }
0x89: {  	v7 =	vsel vm0, $0x3F800000, v6;
	vm11 =	vmor vm9, vm10  }
0x8a: {  	(xrf0) =	vmax.scan.msk.f32 $0xffff, v7;
	v7 =	vsel vm11, $0x3F800000, v6  }
0x8b: {  	(xrf0) =	vmax.scan.msk.f32 $0xffff, v7;
	v7 =	vsub.s32 v10, v4  }
0x8c: {  	vm12 =	vle.u32 v7, v5;
	v7 =	vsub.s32 v8, v4  }
0x8d: {  	vm14 =	vle.u32 v7, v5;
	v7 =	vsub.s32 v11, v4  }
0x8e: {  	v9 =	vld [tilespmem:s30+$0xFFFFFFE0];
	_ =	sdelay $0x1  }
0x8f: {  	vm15 =	vle.u32 v7, v5;
	v7, _, _ =	vpop (xrf0)  }
0x90: {  	(v2sf) =	vpush v7, $0xF;
	v11, _, _ =	vpop (xrf0)  }
0x91: {  	s31 =	simm.s32 $0x8AB0;
	(v2sf) =	vpush v11, $0xF  }
0x92: {  	v63 =	vld [tilespmem:s31+$0xFFFFFFE0];
	v9 =	vsub.s32 v9, v4  }
0x93: {  	v10 =	vld [tilespmem:s31+$0xFFFFFFD0];
	vm13 =	vle.u32 v9, v5  }
0x94: {  	vm0 =	vmor vm12, vm13;
	v7 =	vld [tilespmem:s31+$0xFFFFFFF0]  }
0x95: {  	s10 =	simm.s32 $0x4E;
	s11 =	simm.s32 $0x53;
	v8 =	vld [tilespmem:s31+$0x0];
	vm0 =	vmor vm0, vm14  }
0x96: {  	s12 =	simm.s32 $0x8AF0;
	s9 =	simm.s32 $0x50;
	s5 =	simm.s32 @!p1 $0x0;
	vm0 =	vmor vm0, vm15  }
0x97: {  	s8 =	simm.s32 $0x4F;
	s6 =	simm.s32 $0x51;
	s7 =	sadd.s32 s5, s4;
	v9 =	vsel vm0, $0x3F800000, v6  }
0x98: {  	s4 =	simm.s32 $0x1;
	s5 =	simm.s32 $0x52;
	(xrf0) =	vmax.scan.msk.f32 $0xffff, v9;
	v9 =	vsub.s32 v10, v4;
	v10 =	vsub.s32 v63, v4;
	s13 =	spop (v2sf)  }
.LBB2_3:
0x99: {  	v11 =	vld [tilespmem:s12+$0xFFFFFFD0];
	vm0 =	vle.u32 v9, v5;
	vm1 =	vle.u32 v10, v5;
	v7 =	vsub.s32 v7, v4;
	p2 =	sgt.f32 s13, $0.0e+00;
	s13 =	smov.u32 s11  }
0x9a: {  	s11 =	sadd.s32 $0x1, s11;
	v10 =	vld [tilespmem:s12+$0xFFFFFFE0];
	vm0 =	vmor vm0, vm1;
	vm1 =	vle.u32 v7, v5;
	v8 =	vsub.s32 v8, v4  }
0x9b: {  	p1 =	sne.s32 s11, $0x9C;
	[smem:s7] =	sst @p2 s10;
	s10 =	simm.s32 $0x1  }
.Ltmp1:
0x9c: {  	v7 =	vld [tilespmem:s12+$0xFFFFFFF0];
	vm0 =	vmor vm0, vm1;
	vm1 =	vle.u32 v8, v5;
	s10 =	simm.s32 @!p2 $0x0;
	(pc) =	sbr.rel @p1 .LBB2_3-.Ltmp1, $4  }
0x9d: {  	vm0 =	vmor vm0, vm1;
	v8 =	vld [tilespmem:s12+$0x0];
	s7 =	sadd.s32 s10, s7;
	s10 =	smov.u32 s8;
	s8 =	smov.u32 s9  }
0x9e: {  	v9 =	vsel vm0, $0x3F800000, v6;
	s9 =	smov.u32 s6;
	s6 =	smov.u32 s5;
	s5 =	smov.u32 s13;
	v12, _, _ =	vpop (xrf0)  }
0x9f: {  	(xrf0) =	vmax.scan.msk.f32 $0xffff, v9;
	(v2sf) =	vpush v12, $0xF  }
0xa0: {  	s12 =	sadd.s32 $0x40, s12;
	v9 =	vsub.s32 v11, v4;
	v10 =	vsub.s32 v10, v4;
	s13 =	spop (v2sf)  }
0xa1: {  	vm0 =	vle.u32 v9, v5;
	vm1 =	vle.u32 v10, v5;
	v7 =	vsub.s32 v7, v4  }
0xa2: {  	vm0 =	vmor vm0, vm1;
	vm10 =	vle.u32 v7, v5;
	v7 =	vsub.s32 v8, v4  }
0xa3: {  	vm0 =	vmor vm0, vm10;
	vm11 =	vle.u32 v7, v5  }
0xa4: {  	vm0 =	vmor vm0, vm11  }
0xa5: {  	v6 =	vsel vm0, $0x3F800000, v6  }
0xa6: {  	(xrf0) =	vmax.scan.msk.f32 $0xffff, v6;
	_ =	sdelay $0x3  }
0xa7: {  	v6, _, _ =	vpop (xrf0)  }
0xa8: {  	(v2sf) =	vpush v6, $0xF  }
0xa9: {  	v6, _, _ =	vpop (xrf0)  }
0xaa: {  	(v2sf) =	vpush v6, $0xF;
	_ =	sdelay $0x7  }
0xab: {  	p1 =	sgt.f32 s13, $0.0e+00  }
0xac: {  	s11 =	spop (v2sf)  }
0xad: {  	p2 =	sgt.f32 s11, $0.0e+00;
	[smem:s7] =	sst @p1 s10;
	s10 =	simm.s32 $0x1  }
0xae: {  	s11 =	simm.s32 $0x1;
	s10 =	simm.s32 @!p1 $0x0;
	s12 =	spop (v2sf)  }
0xaf: {  	s11 =	simm.s32 @!p2 $0x0;
	s7 =	sadd.s32 s10, s7;
	p1 =	sgt.f32 s12, $0.0e+00  }
0xb0: {  	[smem:s7] =	sst @p2 s8;
	s7 =	sadd.s32 s11, s7;
	s23 =	spop (v2sf)  }
0xb1: {  	[smem:s7] =	sst @p1 s9;
	s9 =	simm.s32 $0x1;
	p2 =	sgt.f32 s23, $0.0e+00  }
0xb2: {  	s8 =	simm.s32 $0x1;
	s9 =	simm.s32 @!p1 $0x0;
	s24 =	spop (v2sf)  }
0xb3: {  	s7 =	sadd.s32 s9, s7;
	s8 =	simm.s32 @!p2 $0x0;
	p1 =	sgt.f32 s24, $0.0e+00  }
0xb4: {  	[smem:s7] =	sst @p2 s6;
	s6 =	sadd.s32 s8, s7  }
0xb5: {  	s25 =	simm.s32 $0x6;
	[smem:s6] =	sst @p1 s5  }
0xb6: {  	_ =	swait.ge [sflag:s25], $0x1380  }
0xb7: {  	[sflag:s25] =	ssyncset.done $0x0  }
0xb8: {  	s26 =	simm.s32 $0x9D30;
	[sflag:s25] =	ssyncadd.s32 $0xFFFFEC80  }
0xb9: {  	v6 =	vld [tilespmem:s26+$0xFFFFFFD0]  }
0xba: {  	v7 =	vld [tilespmem:s26+$0xFFFFFFE0]  }
0xbb: {  	v8 =	vld [tilespmem:s26+$0xFFFFFFF0]  }
0xbc: {  	v9 =	vld [tilespmem:s26+$0x0];
	_ =	sdelay $0x2  }
0xbd: {  	v6 =	vsub.s32 v6, v4;
	v7 =	vsub.s32 v7, v4  }
0xbe: {  	vm12 =	vle.u32 v6, v5;
	vm13 =	vle.u32 v7, v5;
	v6 =	vsub.s32 v8, v4  }
0xbf: {  	vm0 =	vmor vm12, vm13;
	vm14 =	vle.u32 v6, v5;
	v6 =	vsub.s32 v9, v4  }
0xc0: {  	s28 =	simm.s32 $0x9D70;
	vm0 =	vmor vm0, vm14;
	vm15 =	vle.u32 v6, v5  }
0xc1: {  	v9 =	vld [tilespmem:s28+$0xFFFFFFE0];
	v6 =	vimm.f32 $0.0e+00;
	vm0 =	vmor vm0, vm15  }
0xc2: {  	v7 =	vld [tilespmem:s28+$0xFFFFFFD0];
	v8 =	vsel vm0, $0x3F800000, v6  }
0xc3: {  	(xrf0) =	vmax.scan.msk.f32 $0xffff, v8;
	v8 =	vld [tilespmem:s28+$0xFFFFFFF0]  }
0xc4: {  	s29 =	simm.s32 $0x9DB0;
	v10 =	vld [tilespmem:s28+$0x0]  }
0xc5: {  	v11 =	vld [tilespmem:s29+$0xFFFFFFD0]  }
0xc6: {  	v12 =	vld [tilespmem:s29+$0xFFFFFFE0];
	v9 =	vsub.s32 v9, v4  }
0xc7: {  	v13 =	vld [tilespmem:s29+$0xFFFFFFF0];
	v7 =	vsub.s32 v7, v4  }
0xc8: {  	vm4 =	vle.u32 v7, v5;
	vm5 =	vle.u32 v9, v5;
	v7 =	vsub.s32 v8, v4;
	v8 =	vld [tilespmem:s29+$0x0]  }
0xc9: {  	vm0 =	vmor vm4, vm5;
	v9, _, _ =	vpop (xrf0);
	vm6 =	vle.u32 v7, v5  }
0xca: {  	v7 =	vsub.s32 v10, v4;
	(v2sf) =	vpush v9, $0xF;
	vm0 =	vmor vm0, vm6  }
0xcb: {  	s30 =	simm.s32 $0x9DF0;
	vm7 =	vle.u32 v7, v5;
	v7 =	vsub.s32 v11, v4;
	v9 =	vsub.s32 v12, v4  }
0xcc: {  	v10 =	vld [tilespmem:s30+$0xFFFFFFD0];
	vm2 =	vle.u32 v7, v5;
	vm3 =	vle.u32 v9, v5;
	v7 =	vsub.s32 v13, v4  }
0xcd: {  	vm2 =	vmor vm2, vm3;
	vm8 =	vle.u32 v7, v5;
	v7 =	vsub.s32 v8, v4;
	v8 =	vld [tilespmem:s30+$0xFFFFFFF0]  }
0xce: {  	v11 =	vld [tilespmem:s30+$0x0];
	vm0 =	vmor vm0, vm7;
	vm9 =	vmor vm2, vm8;
	vm10 =	vle.u32 v7, v5  }
0xcf: {  	v7 =	vsel vm0, $0x3F800000, v6;
	vm11 =	vmor vm9, vm10  }
0xd0: {  	(xrf0) =	vmax.scan.msk.f32 $0xffff, v7;
	v7 =	vsel vm11, $0x3F800000, v6  }
0xd1: {  	(xrf0) =	vmax.scan.msk.f32 $0xffff, v7;
	v7 =	vsub.s32 v10, v4  }
0xd2: {  	vm12 =	vle.u32 v7, v5;
	v7 =	vsub.s32 v8, v4  }
0xd3: {  	vm14 =	vle.u32 v7, v5;
	v7 =	vsub.s32 v11, v4  }
0xd4: {  	v9 =	vld [tilespmem:s30+$0xFFFFFFE0];
	_ =	sdelay $0x1  }
0xd5: {  	vm15 =	vle.u32 v7, v5;
	v7, _, _ =	vpop (xrf0)  }
0xd6: {  	(v2sf) =	vpush v7, $0xF;
	v11, _, _ =	vpop (xrf0)  }
0xd7: {  	s31 =	simm.s32 $0x9E30;
	(v2sf) =	vpush v11, $0xF  }
0xd8: {  	v63 =	vld [tilespmem:s31+$0xFFFFFFE0];
	v9 =	vsub.s32 v9, v4  }
0xd9: {  	v10 =	vld [tilespmem:s31+$0xFFFFFFD0];
	vm13 =	vle.u32 v9, v5  }
0xda: {  	vm0 =	vmor vm12, vm13;
	v7 =	vld [tilespmem:s31+$0xFFFFFFF0]  }
0xdb: {  	s10 =	simm.s32 $0x9C;
	s11 =	simm.s32 $0xA1;
	v8 =	vld [tilespmem:s31+$0x0];
	vm0 =	vmor vm0, vm14  }
0xdc: {  	s12 =	simm.s32 $0x9E70;
	s9 =	simm.s32 $0x9E;
	s4 =	simm.s32 @!p1 $0x0;
	vm0 =	vmor vm0, vm15  }
0xdd: {  	s8 =	simm.s32 $0x9D;
	s5 =	simm.s32 $0xA0;
	s7 =	sadd.s32 s4, s6;
	v9 =	vsel vm0, $0x3F800000, v6  }
0xde: {  	s4 =	simm.s32 $0x1;
	s6 =	simm.s32 $0x9F;
	(xrf0) =	vmax.scan.msk.f32 $0xffff, v9;
	v9 =	vsub.s32 v10, v4;
	v10 =	vsub.s32 v63, v4;
	s13 =	spop (v2sf)  }
.LBB2_5:
0xdf: {  	v11 =	vld [tilespmem:s12+$0xFFFFFFD0];
	vm0 =	vle.u32 v9, v5;
	vm1 =	vle.u32 v10, v5;
	v7 =	vsub.s32 v7, v4;
	p2 =	sgt.f32 s13, $0.0e+00;
	s13 =	smov.u32 s11  }
0xe0: {  	s11 =	sadd.s32 $0x1, s11;
	v10 =	vld [tilespmem:s12+$0xFFFFFFE0];
	vm0 =	vmor vm0, vm1;
	vm1 =	vle.u32 v7, v5;
	v8 =	vsub.s32 v8, v4  }
0xe1: {  	p1 =	sne.s32 s11, $0xEA;
	[smem:s7] =	sst @p2 s10;
	s10 =	simm.s32 $0x1  }
.Ltmp2:
0xe2: {  	v7 =	vld [tilespmem:s12+$0xFFFFFFF0];
	vm0 =	vmor vm0, vm1;
	vm1 =	vle.u32 v8, v5;
	s10 =	simm.s32 @!p2 $0x0;
	(pc) =	sbr.rel @p1 .LBB2_5-.Ltmp2, $4  }
0xe3: {  	vm0 =	vmor vm0, vm1;
	v8 =	vld [tilespmem:s12+$0x0];
	s7 =	sadd.s32 s10, s7;
	s10 =	smov.u32 s8;
	s8 =	smov.u32 s9  }
0xe4: {  	v9 =	vsel vm0, $0x3F800000, v6;
	s9 =	smov.u32 s6;
	s6 =	smov.u32 s5;
	s5 =	smov.u32 s13;
	v12, _, _ =	vpop (xrf0)  }
0xe5: {  	(xrf0) =	vmax.scan.msk.f32 $0xffff, v9;
	(v2sf) =	vpush v12, $0xF  }
0xe6: {  	s12 =	sadd.s32 $0x40, s12;
	v9 =	vsub.s32 v11, v4;
	v10 =	vsub.s32 v10, v4;
	s13 =	spop (v2sf)  }
0xe7: {  	vm0 =	vle.u32 v9, v5;
	vm1 =	vle.u32 v10, v5;
	v7 =	vsub.s32 v7, v4  }
0xe8: {  	vm0 =	vmor vm0, vm1;
	vm10 =	vle.u32 v7, v5;
	v7 =	vsub.s32 v8, v4  }
0xe9: {  	vm0 =	vmor vm0, vm10;
	vm11 =	vle.u32 v7, v5  }
0xea: {  	vm0 =	vmor vm0, vm11  }
0xeb: {  	v6 =	vsel vm0, $0x3F800000, v6  }
0xec: {  	(xrf0) =	vmax.scan.msk.f32 $0xffff, v6;
	_ =	sdelay $0x3  }
0xed: {  	v6, _, _ =	vpop (xrf0)  }
0xee: {  	(v2sf) =	vpush v6, $0xF  }
0xef: {  	v6, _, _ =	vpop (xrf0)  }
0xf0: {  	(v2sf) =	vpush v6, $0xF;
	_ =	sdelay $0x7  }
0xf1: {  	p1 =	sgt.f32 s13, $0.0e+00  }
0xf2: {  	s11 =	spop (v2sf)  }
0xf3: {  	p2 =	sgt.f32 s11, $0.0e+00;
	[smem:s7] =	sst @p1 s10;
	s10 =	simm.s32 $0x1  }
0xf4: {  	s11 =	simm.s32 $0x1;
	s10 =	simm.s32 @!p1 $0x0;
	s12 =	spop (v2sf)  }
0xf5: {  	s11 =	simm.s32 @!p2 $0x0;
	s7 =	sadd.s32 s10, s7;
	p1 =	sgt.f32 s12, $0.0e+00  }
0xf6: {  	[smem:s7] =	sst @p2 s8;
	s7 =	sadd.s32 s11, s7;
	s23 =	spop (v2sf)  }
0xf7: {  	[smem:s7] =	sst @p1 s9;
	s9 =	simm.s32 $0x1;
	p2 =	sgt.f32 s23, $0.0e+00  }
0xf8: {  	s8 =	simm.s32 $0x1;
	s9 =	simm.s32 @!p1 $0x0;
	s24 =	spop (v2sf)  }
0xf9: {  	s7 =	sadd.s32 s9, s7;
	s8 =	simm.s32 @!p2 $0x0;
	p1 =	sgt.f32 s24, $0.0e+00  }
0xfa: {  	[smem:s7] =	sst @p2 s6;
	s6 =	sadd.s32 s8, s7  }
0xfb: {  	s25 =	simm.s32 $0x7;
	[smem:s6] =	sst @p1 s5  }
0xfc: {  	_ =	swait.ge [sflag:s25], $0x1380  }
0xfd: {  	[sflag:s25] =	ssyncset.done $0x0  }
0xfe: {  	[sflag:s25] =	ssyncadd.s32 $0xFFFFEC80  }
0xff: {  	_ =	swait.ge [sflag:s25], $0x20  }
0x100: {  	[sflag:s25] =	ssyncset.done $0x0  }
0x101: {  	s26 =	simm.s32 $0xB0B0;
	[sflag:s25] =	ssyncadd.s32 $0xFFFFFFE0  }
0x102: {  	v6 =	vld [tilespmem:s26+$0xFFFFFFD0]  }
0x103: {  	v7 =	vld [tilespmem:s26+$0xFFFFFFE0]  }
0x104: {  	v8 =	vld [tilespmem:s26+$0xFFFFFFF0]  }
0x105: {  	v9 =	vld [tilespmem:s26+$0x0];
	_ =	sdelay $0x2  }
0x106: {  	v6 =	vsub.s32 v6, v4;
	v7 =	vsub.s32 v7, v4  }
0x107: {  	vm12 =	vle.u32 v6, v5;
	vm13 =	vle.u32 v7, v5;
	v6 =	vsub.s32 v8, v4  }
0x108: {  	vm0 =	vmor vm12, vm13;
	vm14 =	vle.u32 v6, v5;
	v6 =	vsub.s32 v9, v4  }
0x109: {  	s28 =	simm.s32 $0xB0F0;
	vm0 =	vmor vm0, vm14;
	vm15 =	vle.u32 v6, v5  }
0x10a: {  	v9 =	vld [tilespmem:s28+$0xFFFFFFE0];
	v6 =	vimm.f32 $0.0e+00;
	vm0 =	vmor vm0, vm15  }
0x10b: {  	v7 =	vld [tilespmem:s28+$0xFFFFFFD0];
	v8 =	vsel vm0, $0x3F800000, v6  }
0x10c: {  	(xrf0) =	vmax.scan.msk.f32 $0xffff, v8;
	v8 =	vld [tilespmem:s28+$0xFFFFFFF0]  }
0x10d: {  	s29 =	simm.s32 $0xB130;
	v10 =	vld [tilespmem:s28+$0x0]  }
0x10e: {  	v11 =	vld [tilespmem:s29+$0xFFFFFFD0]  }
0x10f: {  	v12 =	vld [tilespmem:s29+$0xFFFFFFE0];
	v9 =	vsub.s32 v9, v4  }
0x110: {  	v13 =	vld [tilespmem:s29+$0xFFFFFFF0];
	v7 =	vsub.s32 v7, v4  }
0x111: {  	vm4 =	vle.u32 v7, v5;
	vm5 =	vle.u32 v9, v5;
	v7 =	vsub.s32 v8, v4;
	v8 =	vld [tilespmem:s29+$0x0]  }
0x112: {  	vm0 =	vmor vm4, vm5;
	v9, _, _ =	vpop (xrf0);
	vm6 =	vle.u32 v7, v5  }
0x113: {  	v7 =	vsub.s32 v10, v4;
	(v2sf) =	vpush v9, $0xF;
	vm0 =	vmor vm0, vm6  }
0x114: {  	s30 =	simm.s32 $0xB170;
	vm7 =	vle.u32 v7, v5;
	v7 =	vsub.s32 v11, v4;
	v9 =	vsub.s32 v12, v4  }
0x115: {  	v10 =	vld [tilespmem:s30+$0xFFFFFFD0];
	vm2 =	vle.u32 v7, v5;
	vm3 =	vle.u32 v9, v5;
	v7 =	vsub.s32 v13, v4  }
0x116: {  	vm2 =	vmor vm2, vm3;
	vm8 =	vle.u32 v7, v5;
	v7 =	vsub.s32 v8, v4;
	v8 =	vld [tilespmem:s30+$0xFFFFFFF0]  }
0x117: {  	v11 =	vld [tilespmem:s30+$0x0];
	vm0 =	vmor vm0, vm7;
	vm9 =	vmor vm2, vm8;
	vm10 =	vle.u32 v7, v5  }
0x118: {  	v7 =	vsel vm0, $0x3F800000, v6;
	vm11 =	vmor vm9, vm10  }
0x119: {  	(xrf0) =	vmax.scan.msk.f32 $0xffff, v7;
	v7 =	vsel vm11, $0x3F800000, v6  }
0x11a: {  	(xrf0) =	vmax.scan.msk.f32 $0xffff, v7;
	v7 =	vsub.s32 v10, v4  }
0x11b: {  	vm12 =	vle.u32 v7, v5;
	v7 =	vsub.s32 v8, v4  }
0x11c: {  	vm14 =	vle.u32 v7, v5;
	v7 =	vsub.s32 v11, v4  }
0x11d: {  	v9 =	vld [tilespmem:s30+$0xFFFFFFE0];
	_ =	sdelay $0x1  }
0x11e: {  	vm15 =	vle.u32 v7, v5;
	v7, _, _ =	vpop (xrf0)  }
0x11f: {  	(v2sf) =	vpush v7, $0xF;
	v11, _, _ =	vpop (xrf0)  }
0x120: {  	s31 =	simm.s32 $0xB1B0;
	(v2sf) =	vpush v11, $0xF  }
0x121: {  	v63 =	vld [tilespmem:s31+$0xFFFFFFE0];
	v9 =	vsub.s32 v9, v4  }
0x122: {  	v10 =	vld [tilespmem:s31+$0xFFFFFFD0];
	vm13 =	vle.u32 v9, v5  }
0x123: {  	vm0 =	vmor vm12, vm13;
	v7 =	vld [tilespmem:s31+$0xFFFFFFF0]  }
0x124: {  	s10 =	simm.s32 $0xEA;
	s11 =	simm.s32 $0xEF;
	v8 =	vld [tilespmem:s31+$0x0];
	vm0 =	vmor vm0, vm14  }
0x125: {  	s12 =	simm.s32 $0xB1F0;
	s9 =	simm.s32 $0xEC;
	s4 =	simm.s32 @!p1 $0x0;
	vm0 =	vmor vm0, vm15  }
0x126: {  	s8 =	simm.s32 $0xEB;
	s5 =	simm.s32 $0xEE;
	s7 =	sadd.s32 s4, s6;
	v9 =	vsel vm0, $0x3F800000, v6  }
0x127: {  	s4 =	simm.s32 $0x1;
	s6 =	simm.s32 $0xED;
	(xrf0) =	vmax.scan.msk.f32 $0xffff, v9;
	v9 =	vsub.s32 v10, v4;
	v10 =	vsub.s32 v63, v4;
	s13 =	spop (v2sf)  }
.LBB2_7:
0x128: {  	v11 =	vld [tilespmem:s12+$0xFFFFFFD0];
	vm0 =	vle.u32 v9, v5;
	vm1 =	vle.u32 v10, v5;
	v7 =	vsub.s32 v7, v4;
	p2 =	sgt.f32 s13, $0.0e+00;
	s13 =	smov.u32 s11  }
0x129: {  	s11 =	sadd.s32 $0x1, s11;
	v10 =	vld [tilespmem:s12+$0xFFFFFFE0];
	vm0 =	vmor vm0, vm1;
	vm1 =	vle.u32 v7, v5;
	v8 =	vsub.s32 v8, v4  }
0x12a: {  	p1 =	sne.s32 s11, $0x138;
	[smem:s7] =	sst @p2 s10;
	s10 =	simm.s32 $0x1  }
.Ltmp3:
0x12b: {  	v7 =	vld [tilespmem:s12+$0xFFFFFFF0];
	vm0 =	vmor vm0, vm1;
	vm1 =	vle.u32 v8, v5;
	s10 =	simm.s32 @!p2 $0x0;
	(pc) =	sbr.rel @p1 .LBB2_7-.Ltmp3, $4  }
0x12c: {  	vm0 =	vmor vm0, vm1;
	v8 =	vld [tilespmem:s12+$0x0];
	s7 =	sadd.s32 s10, s7;
	s10 =	smov.u32 s8;
	s8 =	smov.u32 s9  }
0x12d: {  	v9 =	vsel vm0, $0x3F800000, v6;
	s9 =	smov.u32 s6;
	s6 =	smov.u32 s5;
	s5 =	smov.u32 s13;
	v12, _, _ =	vpop (xrf0)  }
0x12e: {  	(xrf0) =	vmax.scan.msk.f32 $0xffff, v9;
	(v2sf) =	vpush v12, $0xF  }
0x12f: {  	s12 =	sadd.s32 $0x40, s12;
	v9 =	vsub.s32 v11, v4;
	v10 =	vsub.s32 v10, v4;
	s13 =	spop (v2sf)  }
0x130: {  	vm0 =	vle.u32 v9, v5;
	vm1 =	vle.u32 v10, v5;
	v7 =	vsub.s32 v7, v4  }
0x131: {  	vm0 =	vmor vm0, vm1;
	vm14 =	vle.u32 v7, v5;
	v4 =	vsub.s32 v8, v4  }
0x132: {  	vm0 =	vmor vm0, vm14;
	vm15 =	vle.u32 v4, v5  }
0x133: {  	vm0 =	vmor vm0, vm15  }
0x134: {  	v4 =	vsel vm0, $0x3F800000, v6  }
0x135: {  	(xrf0) =	vmax.scan.msk.f32 $0xffff, v4;
	_ =	sdelay $0x3  }
0x136: {  	v4, _, _ =	vpop (xrf0)  }
0x137: {  	(v2sf) =	vpush v4, $0xF  }
0x138: {  	v4, _, _ =	vpop (xrf0)  }
0x139: {  	(v2sf) =	vpush v4, $0xF;
	_ =	sdelay $0x7  }
0x13a: {  	p1 =	sgt.f32 s13, $0.0e+00  }
0x13b: {  	s11 =	spop (v2sf)  }
0x13c: {  	p2 =	sgt.f32 s11, $0.0e+00;
	[smem:s7] =	sst @p1 s10;
	s10 =	simm.s32 $0x1  }
0x13d: {  	s11 =	simm.s32 $0x1;
	s10 =	simm.s32 @!p1 $0x0;
	s12 =	spop (v2sf)  }
0x13e: {  	s11 =	simm.s32 @!p2 $0x0;
	s7 =	sadd.s32 s10, s7;
	p1 =	sgt.f32 s12, $0.0e+00  }
0x13f: {  	[smem:s7] =	sst @p2 s8;
	s7 =	sadd.s32 s11, s7;
	s30 =	spop (v2sf)  }
0x140: {  	[smem:s7] =	sst @p1 s9;
	s9 =	simm.s32 $0x1;
	p2 =	sgt.f32 s30, $0.0e+00  }
0x141: {  	s8 =	simm.s32 $0x1;
	s9 =	simm.s32 @!p1 $0x0;
	s31 =	spop (v2sf)  }
0x142: {  	s7 =	sadd.s32 s9, s7;
	s8 =	simm.s32 @!p2 $0x0;
	p1 =	sgt.f32 s31, $0.0e+00  }
0x143: {  	[smem:s7] =	sst @p2 s6;
	s6 =	sadd.s32 s8, s7  }
0x144: {  	s7 =	simm.s32 $0x1;
	[smem:s6] =	sst @p1 s5  }
0x145: {  	_ =	swait.ge [sflag:s7], $0x4E20  }
0x146: {  	s4 =	simm.s32 @!p1 $0x0;
	[sflag:s7] =	ssyncset.done $0x0  }
0x147: {  	s4 =	sadd.s32 s4, s6;
	[sflag:s7] =	ssyncadd.s32 $0xFFFFB1E0  }
0x148: {  	p2 =	slt.s32 s4, $0x1;
	_ =	swait.ge [sflag:s7], $0x4E20  }
.Ltmp4:
0x149: {  	[sflag:s7] =	ssyncset.done $0x0;
	(pc) =	sbr.rel @p2 .LBB2_9-.Ltmp4, $4  }
0x14a: {  	[sflag:s7] =	ssyncadd.s32 $0xFFFFB1E0  }
0x14b: {  	_ =	swait.ge [sflag:s7], $0x2780  }
0x14c: {  	[sflag:s7] =	ssyncset.done $0x0  }
0x14d: {  	[sflag:s7] =	ssyncadd.s32 $0xFFFFD880  }
0x14e: {  	s4 =	sld [smem:$0x0]  }
0x14f: {  	s7 =	simm.s32 @!p1 $0x0  }
0x150: {  	s6 =	sadd.s32 s7, s6  }
0x151: {  	p2 =	sne.s32 s6, $0x1;
	s5 =	sshll.u32 s4, $0x6  }
.Ltmp5:
0x152: {  	v5 =	vld [tilespmem:s5+$0x7630];
	(pc) =	sbr.rel @!p2 .LBB2_11-.Ltmp5, $4  }
0x153: {  	v10 =	vld [tilespmem:s5+$0xC4B0]  }
0x154: {  	v6 =	vld [tilespmem:s5+$0x7620]  }
0x155: {  	v7 =	vld [tilespmem:s5+$0x27B0]  }
0x156: {  	v4 =	vimm.f32 $0.0e+00;
	p1 =	por $0x0, $0x0;
	s7 =	sadd.s32 $0xFFFFFFFF, s6;
	s4 =	simm.s32 $0x0;
	v9 =	vld [tilespmem:s5+$0x27A0]  }
0x157: {  	_ = 	snop  }
0x158: {  	v8 =	vld [tilespmem:s5+$0x2790]  }
0x159: {  	v11 =	vld [tilespmem:s5+$0x2780]  }
0x15a: {  	v12 =	vld [tilespmem:s5+$0xC4A0]  }
0x15b: {  	v13 =	vld [tilespmem:s5+$0x7610]  }
0x15c: {  	v14 =	vld [tilespmem:s5+$0xC490]  }
0x15d: {  	v15 =	vld [tilespmem:s5+$0x7600]  }
0x15e: {  	v7 =	vld.idx.msk [tilespmem:v7+s4+$0x0], $0xffff  }
0x15f: {  	v9 =	vld.idx.msk [tilespmem:v9+s4+$0x0], $0xffff  }
0x160: {  	vm10 =	veq.s32 v5, v3;
	vm11 =	veq.s32 v5, v2;
	vm1 =	veq.s32 v5, v1;
	v16 =	vld.idx.msk [tilespmem:v8+s4+$0x0], $0xffff  }
0x161: {  	vm0 =	veq.s32 v5, v0;
	vm12 =	veq.s32 v6, v3;
	vm13 =	veq.s32 v6, v2;
	s6 =	sld [smem:$0x1];
	v17 =	vld.idx.msk [tilespmem:v11+s4+$0x0], $0xffff  }
0x162: {  	vm3 =	veq.s32 v6, v1;
	vm2 =	veq.s32 v6, v0;
	vm14 =	veq.s32 v13, v3;
	v18 =	vld [tilespmem:s5+$0xC480]  }
0x163: {  	vm15 =	veq.s32 v13, v2;
	vm4 =	veq.s32 v13, v1;
	vm6 =	veq.s32 v15, v3  }
0x164: {  	p2 =	sne.s32 s7, $0x1;
	vm7 =	veq.s32 v15, v2;
	vm5 =	veq.s32 v13, v0;
	v8 =	vmul.f32 v7, v10;
	s5 =	sshll.u32 s6, $0x6  }
.Ltmp6:
0x165: {  	vm8 =	veq.s32 v15, v1;
	vm9 =	veq.s32 v15, v0;
	v11 =	vmul.f32 v9, v12;
	v5 =	vld [tilespmem:s5+$0x7630];
	(pc) =	sbr.rel @!p2 .LBB2_13-.Ltmp6, $4  }
0x166: {  	v15 =	vimm.f32 $0.0e+00;
	v12 =	vimm.f32 $0.0e+00;
	v13 =	vnsel vm10, $0x0, v8;
	v10 =	vld [tilespmem:s5+$0xC4B0]  }
0x167: {  	v21 =	vnsel vm13, $0x0, v11;
	v6 =	vld [tilespmem:s5+$0x7620];
	v19 =	vmul.f32 v16, v14;
	v20 =	vmul.f32 v17, v18  }
0x168: {  	v7 =	vld [tilespmem:s5+$0x27B0];
	v17 =	vnsel vm12, $0x0, v11;
	v14 =	vnsel vm11, $0x0, v8;
	v16 =	vimm.f32 $0.0e+00  }
0x169: {  	s7 =	sadd.s32 $0xFFFFFFFF, s7;
	p1 =	por $0x1, $0x1;
	s6 =	simm.s32 $0x1;
	v9 =	vld [tilespmem:s5+$0x27A0];
	v18 =	vimm.f32 $0.0e+00;
	v22 =	vnsel vm14, $0x0, v19;
	v23 =	vnsel vm15, $0x0, v19  }
.LBB2_14:
0x16a: {  	p2 =	sne.s32 s7, $0x1;
	v24 =	vld [tilespmem:s5+$0x2790];
	v25 =	vnsel vm6, $0x0, v20;
	v26 =	vnsel vm7, $0x0, v20;
	v27 =	vnsel vm8, $0x0, v20  }
0x16b: {  	v20 =	vnsel vm9, $0x0, v20;
	v28 =	vld [tilespmem:s5+$0x2780];
	v12 =	vadd.f32 v25, v12;
	v15 =	vadd.f32 v26, v15  }
0x16c: {  	v16 =	vadd.f32 v27, v16;
	v18 =	vadd.f32 v20, v18;
	v20 =	vnsel vm4, $0x0, v19;
	v25 =	vld [tilespmem:s5+$0xC4A0]  }
0x16d: {  	v19 =	vnsel vm5, $0x0, v19;
	v26 =	vld [tilespmem:s5+$0x7610];
	v12 =	vadd.f32 v22, v12;
	v15 =	vadd.f32 v23, v15  }
0x16e: {  	v16 =	vadd.f32 v20, v16;
	v18 =	vadd.f32 v19, v18;
	v19 =	vnsel vm3, $0x0, v11;
	v22 =	vld [tilespmem:s5+$0xC490]  }
0x16f: {  	v11 =	vnsel vm2, $0x0, v11;
	v23 =	vld [tilespmem:s5+$0x7600];
	v12 =	vadd.f32 v17, v12;
	v15 =	vadd.f32 v21, v15  }
0x170: {  	v16 =	vadd.f32 v19, v16;
	v11 =	vadd.f32 v11, v18;
	v17 =	vnsel vm1, $0x0, v8;
	v7 =	vld.idx.msk [tilespmem:v7+s4+$0x0], $0xffff  }
0x171: {  	v8 =	vnsel vm0, $0x0, v8;
	v9 =	vld.idx.msk [tilespmem:v9+s4+$0x0], $0xffff;
	v12 =	vadd.f32 v13, v12;
	v15 =	vadd.f32 v14, v15  }
0x172: {  	s6 =	sadd.s32 $0x1, s6;
	v16 =	vadd.f32 v17, v16;
	v18 =	vadd.f32 v8, v11;
	v13 =	vld.idx.msk [tilespmem:v24+s4+$0x0], $0xffff  }
0x173: {  	vm10 =	veq.s32 v5, v3;
	vm11 =	veq.s32 v5, v2;
	s8 =	sld [smem:s6+$0x0];
	v14 =	vld.idx.msk [tilespmem:v28+s4+$0x0], $0xffff  }
0x174: {  	vm13 =	veq.s32 v6, v3;
	vm1 =	veq.s32 v5, v1;
	vm0 =	veq.s32 v5, v0;
	v17 =	vld [tilespmem:s5+$0xC480]  }
0x175: {  	vm12 =	veq.s32 v6, v2;
	vm3 =	veq.s32 v6, v1;
	vm2 =	veq.s32 v6, v0  }
0x176: {  	vm14 =	veq.s32 v26, v3;
	vm15 =	veq.s32 v26, v2;
	vm4 =	veq.s32 v26, v1;
	s5 =	sshll.u32 s8, $0x6  }
.Ltmp7:
0x177: {  	vm5 =	veq.s32 v26, v0;
	vm6 =	veq.s32 v23, v3;
	vm7 =	veq.s32 v23, v2;
	v5 =	vld [tilespmem:s5+$0x7630];
	(pc) =	sbr.rel @p2 .LBB2_14-.Ltmp7, $4  }
0x178: {  	vm8 =	veq.s32 v23, v1;
	v8 =	vmul.f32 v7, v10;
	v11 =	vmul.f32 v9, v25;
	v10 =	vld [tilespmem:s5+$0xC4B0]  }
0x179: {  	vm9 =	veq.s32 v23, v0;
	v19 =	vmul.f32 v13, v22;
	v6 =	vld [tilespmem:s5+$0x7620];
	v20 =	vmul.f32 v14, v17  }
0x17a: {  	v13 =	vnsel vm10, $0x0, v8;
	v17 =	vnsel vm13, $0x0, v11;
	v14 =	vnsel vm11, $0x0, v8;
	v7 =	vld [tilespmem:s5+$0x27B0]  }
0x17b: {  	s7 =	sadd.s32 $0xFFFFFFFF, s7;
	v21 =	vnsel vm12, $0x0, v11;
	v22 =	vnsel vm14, $0x0, v19;
	v23 =	vnsel vm15, $0x0, v19;
	v9 =	vld [tilespmem:s5+$0x27A0]  }
.LBB2_15:
0x17c: {  	v25 =	vnsel @p1 vm6, $0x0, v20;
	v26 =	vnsel @p1 vm7, $0x0, v20;
	v27 =	vnsel @p1 vm8, $0x0, v20  }
0x17d: {  	v20 =	vnsel @p1 vm9, $0x0, v20;
	v12 =	vadd.f32 @p1 v25, v12;
	v15 =	vadd.f32 @p1 v26, v15  }
0x17e: {  	v24 =	vld [tilespmem:s5+$0x2790];
	v16 =	vadd.f32 @p1 v27, v16;
	v18 =	vadd.f32 @p1 v20, v18  }
0x17f: {  	v28 =	vld [tilespmem:s5+$0x2780];
	v20 =	vnsel @p1 vm4, $0x0, v19;
	v19 =	vnsel @p1 vm5, $0x0, v19;
	vm4 =	veq.s32 v5, v3  }
0x180: {  	v44 =	vld [tilespmem:s5+$0xC4A0];
	vm5 =	veq.s32 v5, v2;
	vm6 =	veq.s32 v6, v3;
	v12 =	vadd.f32 @p1 v22, v12  }
0x181: {  	v45 =	vld [tilespmem:s5+$0x7610];
	vm7 =	veq.s32 v6, v2;
	v15 =	vadd.f32 @p1 v23, v15;
	v16 =	vadd.f32 @p1 v20, v16  }
0x182: {  	v47 =	vld [tilespmem:s5+$0x7600];
	v18 =	vadd.f32 @p1 v19, v18;
	v19 =	vnsel @p1 vm3, $0x0, v11;
	v11 =	vnsel @p1 vm2, $0x0, v11  }
0x183: {  	v46 =	vld [tilespmem:s5+$0xC490];
	vm3 =	veq.s32 v6, v1;
	v12 =	vadd.f32 @p1 v17, v12;
	v15 =	vadd.f32 @p1 v21, v15  }
0x184: {  	v7 =	vld.idx.msk [tilespmem:v7+s4+$0x0], $0xffff;
	vm2 =	veq.s32 v6, v0;
	v16 =	vadd.f32 @p1 v19, v16;
	v11 =	vadd.f32 @p1 v11, v18  }
0x185: {  	v9 =	vld.idx.msk [tilespmem:v9+s4+$0x0], $0xffff;
	v17 =	vnsel @p1 vm1, $0x0, v8;
	v8 =	vnsel @p1 vm0, $0x0, v8;
	vm1 =	veq.s32 v5, v1  }
0x186: {  	v50 =	vld [tilespmem:s5+$0xC480];
	vm0 =	veq.s32 v5, v0;
	vm8 =	veq.s32 v45, v3;
	vm9 =	veq.s32 v45, v2  }
0x187: {  	vm10 =	veq.s32 v45, v1;
	vm11 =	veq.s32 v47, v3;
	vm12 =	veq.s32 v47, v2;
	v48 =	vld.idx.msk [tilespmem:v24+s4+$0x0], $0xffff  }
0x188: {  	vm13 =	veq.s32 v45, v0;
	vm14 =	veq.s32 v47, v1;
	v12 =	vadd.f32 @p1 v13, v12;
	v49 =	vld.idx.msk [tilespmem:v28+s4+$0x0], $0xffff  }
0x189: {  	vm15 =	veq.s32 v47, v0;
	v13 =	vadd.f32 @p1 v14, v15;
	v15 =	vadd.f32 @p1 v17, v16  }
0x18a: {  	v8 =	vadd.f32 @p1 v8, v11;
	v51 =	vmul.f32 v7, v10;
	v5 =	vmul.f32 v9, v44  }
0x18b: {  	v12 =	vpsel p1, v12, v4;
	v13 =	vpsel p1, v13, v4;
	v15 =	vpsel p1, v15, v4  }
0x18c: {  	v4 =	vpsel p1, v8, v4;
	v53 =	vnsel vm4, $0x0, v51;
	v6 =	vmul.f32 v48, v46  }
0x18d: {  	v54 =	vnsel vm5, $0x0, v51;
	v52 =	vnsel vm6, $0x0, v5;
	v7 =	vmul.f32 v49, v50  }
0x18e: {  	v57 =	vnsel vm7, $0x0, v5;
	v55 =	vnsel vm8, $0x0, v6;
	v56 =	vnsel vm9, $0x0, v6  }
0x18f: {  	v8 =	vnsel vm11, $0x0, v7;
	v58 =	vnsel vm12, $0x0, v7;
	v59 =	vnsel vm14, $0x0, v7  }
0x190: {  	v7 =	vnsel vm15, $0x0, v7;
	v8 =	vadd.f32 v8, v12;
	v60 =	vadd.f32 v58, v13  }
0x191: {  	v61 =	vadd.f32 v59, v15;
	v4 =	vadd.f32 v7, v4;
	v7 =	vnsel vm10, $0x0, v6  }
0x192: {  	v6 =	vnsel vm13, $0x0, v6;
	v8 =	vadd.f32 v55, v8;
	v12 =	vadd.f32 v56, v60  }
.Ltmp8:
0x193: {  	v7 =	vadd.f32 v7, v61;
	v4 =	vadd.f32 v6, v4;
	v6 =	vnsel vm3, $0x0, v5;
	(pc) =	sbr.rel .LBB2_16-.Ltmp8, $4  }
0x194: {  	v5 =	vnsel vm2, $0x0, v5;
	v8 =	vadd.f32 v52, v8;
	v62 =	vadd.f32 v57, v12  }
0x195: {  	v63 =	vadd.f32 v6, v7;
	v4 =	vadd.f32 v5, v4;
	v5 =	vnsel vm1, $0x0, v51  }
0x196: {  	v6 =	vadd.f32 v53, v8;
	v7 =	vadd.f32 v54, v62;
	v8 =	vnsel vm0, $0x0, v51  }
0x197: {  	v5 =	vadd.f32 v5, v63;
	v4 =	vadd.f32 v8, v4  }
.LBB2_9:
0x198: {  	v6 =	vimm.f32 $0.0e+00  }
0x199: {  	v7 =	vimm.f32 $0.0e+00;
	v5 =	vimm.f32 $0.0e+00;
	v4 =	vimm.f32 $0.0e+00  }
.LBB2_16:
0x19a: {  	v8 =	vld [tilespmem:$0x7580];
	_ =	sdelay $0x1  }
0x19b: {  	v9 =	vld [tilespmem:$0x7590];
	_ =	sdelay $0x2  }
0x19c: {  	v10 =	vld [tilespmem:$0x11280]  }
0x19d: {  	v11 =	vld [tilespmem:$0xC400]  }
0x19e: {  	s4 =	simm.s32 $0x0;
	v12 =	vld [tilespmem:$0x11290]  }
0x19f: {  	v8 =	vld.idx.msk [tilespmem:v8+s4+$0x0], $0xffff  }
0x1a0: {  	v50 =	vld [tilespmem:$0xC410]  }
0x1a1: {  	v9 =	vld.idx.msk [tilespmem:v9+s4+$0x0], $0xffff;
	_ =	sdelay $0x1  }
0x1a2: {  	vm0 =	veq.s32 v11, v3;
	vm1 =	veq.s32 v11, v2  }
0x1a3: {  	vm6 =	veq.s32 v11, v1;
	vm7 =	veq.s32 v11, v0;
	v8 =	vmul.f32 v8, v10  }
0x1a4: {  	vm8 =	veq.s32 v50, v3;
	vm9 =	veq.s32 v50, v2;
	vm10 =	veq.s32 v50, v1  }
0x1a5: {  	vm11 =	veq.s32 v50, v0;
	v9 =	vmul.f32 v9, v12;
	v13 =	vnsel vm0, $0x0, v8  }
0x1a6: {  	v14 =	vnsel vm1, $0x0, v8;
	v51 =	vnsel vm6, $0x0, v8;
	v6 =	vadd.f32 v13, v6  }
0x1a7: {  	v8 =	vnsel vm7, $0x0, v8;
	v53 =	vnsel vm8, $0x0, v9;
	v7 =	vadd.f32 v14, v7  }
0x1a8: {  	v55 =	vnsel vm9, $0x0, v9;
	v5 =	vadd.f32 v51, v5;
	v54 =	vadd.f32 v53, v6  }
0x1a9: {  	v57 =	vnsel vm10, $0x0, v9;
	v52 =	vadd.f32 v8, v4;
	v56 =	vadd.f32 v55, v7  }
0x1aa: {  	v59 =	vnsel vm11, $0x0, v9;
	v58 =	vadd.f32 v57, v5;
	(xrf2) =	vadd.scan.msk.f32 $0xffff, v54  }
0x1ab: {  	v60 =	vadd.f32 v59, v52;
	(xrf2) =	vadd.scan.msk.f32 $0xffff, v56  }
0x1ac: {  	(xrf2) =	vadd.scan.msk.f32 $0xffff, v58  }
0x1ad: {  	(xrf2) =	vadd.scan.msk.f32 $0xffff, v60;
	_ =	sdelay $0x6  }
0x1ae: {  	v61, _, _ =	vpop (xrf2)  }
0x1af: {  	v1, _, _ =	vpop (xrf2)  }
0x1b0: {  	v62, _, _ =	vpop (xrf2)  }
0x1b1: {  	v63, _, _ =	vpop (xrf2)  }
0x1b2: {  	v3 =	vbroadcast v63, $0xF  }
0x1b3: {  	vm12 =	vcmask $0xF0C;
	v2 =	vbroadcast v62, $0xF  }
0x1b4: {  	vm13 =	vcmask $0x3F0C;
	v1 =	vbroadcast v1, $0xF;
	v3 =	vnsel vm12, $0x0, v3  }
0x1b5: {  	vm14 =	vcmask $0x3F08;
	v0 =	vbroadcast v61, $0xF;
	v2 =	vsel vm13, v3, v2  }
0x1b6: {  	vm15 =	vcmask $0x3F04;
	v1 =	vsel vm14, v2, v1  }
0x1b7: {  	v0 =	vsel vm15, v1, v0  }
0x1b8: {  	v0 =	vmul.f32 $3.300000130e-01, v0;
	_ =	sdelay $0x1  }
0x1b9: {  	s5 =	simm.s32 $0x11300;
	[tilespmem:$0x11300] =	vst v0  }
0x1ba: {  	[spmem:s3] =	stream.linear.scatter [tilespmem:s5], [sflag:$0x8], $0x80, $0x38;
	[tilespmem:$0x16B10] =	vst v63  }
0x1bb: {  	s3 =	simm.s32 $0x8  }
0x1bc: {  	_ =	swait.ge [sflag:s3], $0x80  }
0x1bd: {  	[sflag:s3] =	ssyncset.done $0x0  }
0x1be: {  	[sflag:s3] =	ssyncadd.s32 $0xFFFFFF80  }
0x1bf: {  	[bflag:$0x0] =	sbarrier.arrive $0xFFFF  }
0x1c0: {  	_ =	sfence.sel @p0 $0x180000  }
0x1c1: {  	[bflag:$0x0] =	sbarrier.arrive @p0 $0xFFFF  }
0x1c2: {  	_ =	strace @p0 $0x90000047  }
0x1c3: {  	[bflag:$0x2] =	sbarrier.arrive @p0 $0xFFFF  }
0x1c4: {  	_ =	shalt @p0  }
.LBB2_17:
0x1c5: {  	s6 =	simm.s32 $0x3  }
0x1c6: {  	_ =	swait.ge [sflag:s6], $0x2780  }
0x1c7: {  	[sflag:s6] =	ssyncset.done $0x0  }
0x1c8: {  	[sflag:s6] =	ssyncadd.s32 $0xFFFFD880  }
0x1c9: {  	_ =	swait.ge [sflag:s6], $0x2780  }
0x1ca: {  	[sflag:s6] =	ssyncset.done $0x0  }
0x1cb: {  	s28 =	simm.s32 $0x16300;
	[sflag:s6] =	ssyncadd.s32 $0xFFFFD880  }
0x1cc: {  	[tilespmem:s28], [sflag:$0x8] =	stream.linear.gather [spmem:s2], $0x800, $0x38;
	[tilespmem:$0x16B10] =	vst v63  }
0x1cd: {  	_ =	swait.ge [sflag:s3], $0x800  }
0x1ce: {  	[sflag:s3] =	ssyncset.done $0x0  }
0x1cf: {  	[sflag:s3] =	ssyncadd.s32 $0xFFFFF800  }
0x1d0: {  	v0 =	vld [tilespmem:$0x16300]  }
0x1d1: {  	v1 =	vld [tilespmem:$0x16380];
	_ =	sdelay $0x1  }
0x1d2: {  	v2 =	vld [tilespmem:$0x16400];
	_ =	sdelay $0x1  }
0x1d3: {  	v3 =	vld [tilespmem:$0x16480]  }
0x1d4: {  	v0 =	vadd.f32 v1, v0  }
0x1d5: {  	v38 =	vld [tilespmem:$0x16500]  }
0x1d6: {  	v0 =	vadd.f32 v2, v0  }
0x1d7: {  	v39 =	vld [tilespmem:$0x16580]  }
0x1d8: {  	v0 =	vadd.f32 v3, v0  }
0x1d9: {  	v40 =	vld [tilespmem:$0x16600]  }
0x1da: {  	v0 =	vadd.f32 v38, v0  }
0x1db: {  	v4 =	vimm.s32 $0x3020100;
	v41 =	vld [tilespmem:$0x16680]  }
0x1dc: {  	v42 =	vunpack.c.0.s8.s32 v4;
	v0 =	vadd.f32 v39, v0  }
0x1dd: {  	vm0 =	vcmask $0xF00;
	v43 =	vld [tilespmem:$0x16700]  }
0x1de: {  	v2 =	vnsel vm0, $0x3, v42;
	v0 =	vadd.f32 v40, v0  }
0x1df: {  	v44 =	vld [tilespmem:$0x16780]  }
0x1e0: {  	v0 =	vadd.f32 v41, v0  }
0x1e1: {  	v45 =	vld [tilespmem:$0x16800]  }
0x1e2: {  	s29 =	simm.s32 $0x11380;
	v46 =	vld [tilespmem:$0x16880];
	v0 =	vadd.f32 v43, v0  }
0x1e3: {  	v2 =	vld.idx.msk [tilespmem:v2+s29+$0x0], $0xffff  }
0x1e4: {  	v0 =	vadd.f32 v44, v0  }
0x1e5: {  	v47 =	vld [tilespmem:$0x16900]  }
0x1e6: {  	v0 =	vadd.f32 v45, v0  }
0x1e7: {  	v48 =	vld [tilespmem:$0x16980]  }
0x1e8: {  	v0 =	vadd.f32 v46, v0  }
0x1e9: {  	v49 =	vld [tilespmem:$0x16A00]  }
0x1ea: {  	v50 =	vld [tilespmem:$0x16A80];
	v0 =	vadd.f32 v47, v0  }
0x1eb: {  	v5 =	vld.idx.msk [tilespmem:v2+s4+$0x0], $0xffff  }
0x1ec: {  	v0 =	vadd.f32 v48, v0;
	_ =	sdelay $0x1  }
0x1ed: {  	s30 =	simm.s32 $0x11400;
	v0 =	vadd.f32 v49, v0  }
0x1ee: {  	v51 =	vld.idx.msk [tilespmem:v2+s30+$0x0], $0xffff  }
0x1ef: {  	v52 =	vmul.f32 $3.300000130e-01, v5;
	v0 =	vadd.f32 v50, v0;
	_ =	sdelay $0x1  }
0x1f0: {  	v0 =	vadd.f32 v52, v0;
	_ =	sdelay $0x1  }
0x1f1: {  	v0 =	vadd.f32 v0, v51;
	_ =	sdelay $0x1  }
0x1f2: {  	v1 =	vand.u32 $0x7FFFFFFF, v0  }
0x1f3: {  	v53 =	vmul.f32 $-2.000000000e+00, v1;
	_ =	sdelay $0x1  }
0x1f4: {  	v3 =	vmul.f32 $1.442695020e+00, v53;
	_ =	sdelay $0x1  }
0x1f5: {  	(erf) = vpow2.f32 v3;
	_ =	sdelay $0x8  }
0x1f6: {  	v54 =	vsub.f32 $0.0e+00, v0;
	v3 =	vpop (erf)  }
0x1f7: {  	v55 =	vadd.f32 $1.000000000e+00, v3  }
0x1f8: {  	v4 =	vmul.f32 $1.442695020e+00, v54  }
0x1f9: {  	(erf) = vrcp.f32 v55  }
0x1fa: {  	(erf) = vpow2.f32 v4;
	_ =	sdelay $0x7  }
0x1fb: {  	v56 =	vpop (erf)  }
0x1fc: {  	v6 =	vsub.f32 $0.0e+00, v1;
	v57 =	vpop (erf)  }
0x1fd: {  	v5 =	vadd.f32 $1.000000000e+00, v57  }
0x1fe: {  	v6 =	vmul.f32 $1.442695020e+00, v6  }
0x1ff: {  	(erf) = vrcp.f32 v5  }
0x200: {  	(erf) = vpow2.f32 v6;
	_ =	sdelay $0x7  }
0x201: {  	v5 =	vpop (erf)  }
0x202: {  	v6 =	vpop (erf)  }
0x203: {  	v7 =	vmul.f32 $6.931471820e-01, v6;
	_ =	sdelay $0x1  }
0x204: {  	v8 =	vsub.f32 $0.0e+00, v7;
	_ =	sdelay $0x1  }
0x205: {  	v8 =	vmul.f32 $1.442695020e+00, v8;
	_ =	sdelay $0x1  }
0x206: {  	(erf) = vpow2.f32 v8;
	_ =	sdelay $0x7  }
0x207: {  	v6 =	vadd.f32 $1.000000000e+00, v6  }
0x208: {  	v8 =	vpop (erf)  }
0x209: {  	v7 =	vadd.f32 $-1.000000000e+00, v7;
	v8 =	vmul.f32 v8, v6;
	_ =	sdelay $0x1  }
0x20a: {  	v7 =	vadd.f32 v8, v7;
	_ =	sdelay $0x1  }
0x20b: {  	v8 =	vsub.f32 $0.0e+00, v7;
	_ =	sdelay $0x1  }
0x20c: {  	v8 =	vmul.f32 $1.442695020e+00, v8;
	_ =	sdelay $0x1  }
0x20d: {  	(erf) = vpow2.f32 v8;
	_ =	sdelay $0x8  }
0x20e: {  	v8 =	vpop (erf)  }
0x20f: {  	v7 =	vadd.f32 $-1.000000000e+00, v7;
	v8 =	vmul.f32 v8, v6;
	_ =	sdelay $0x1  }
0x210: {  	v7 =	vadd.f32 v8, v7;
	_ =	sdelay $0x1  }
0x211: {  	v8 =	vsub.f32 $0.0e+00, v7;
	_ =	sdelay $0x1  }
0x212: {  	v8 =	vmul.f32 $1.442695020e+00, v8;
	_ =	sdelay $0x1  }
0x213: {  	(erf) = vpow2.f32 v8;
	_ =	sdelay $0x8  }
0x214: {  	v8 =	vpop (erf)  }
0x215: {  	v7 =	vadd.f32 $-1.000000000e+00, v7;
	v8 =	vmul.f32 v8, v6;
	_ =	sdelay $0x1  }
0x216: {  	v7 =	vadd.f32 v8, v7;
	_ =	sdelay $0x1  }
0x217: {  	v8 =	vsub.f32 $0.0e+00, v7;
	_ =	sdelay $0x1  }
0x218: {  	v8 =	vmul.f32 $1.442695020e+00, v8;
	_ =	sdelay $0x1  }
0x219: {  	(erf) = vpow2.f32 v8;
	_ =	sdelay $0x1  }
0x21a: {  	s31 =	simm.s32 $0x13B80  }
0x21b: {  	v2 =	vld.idx.msk [tilespmem:v2+s31+$0x0], $0xffff;
	_ =	sdelay $0x3  }
0x21c: {  	v3 =	vsub.f32 $1.000000000e+00, v3  }
0x21d: {  	vm9 =	veq.s32 v2, $0x1;
	vm10 =	veq.s32 v2, $0x2;
	vm11 =	veq.s32 v2, $0x3  }
0x21e: {  	v58 =	vmul.f32 $9.999999770e-03, v0;
	vm1 =	vge.f32 v0, $0.0e+00;
	v3 =	vmul.f32 v56, v3;
	v59 =	vpop (erf)  }
0x21f: {  	v60 =	vmax.f32 v0, $0.0e+00;
	v7 =	vadd.f32 $-1.000000000e+00, v7;
	v4 =	vmul.f32 v59, v6  }
0x220: {  	v61 =	vsub.f32 $0.0e+00, v3;
	v8 =	vsel vm1, v0, v58;
	v0 =	vsel vm9, v60, v0  }
0x221: {  	v62 =	vmin.f32 v60, $1.000000000e+00;
	v0 =	vsel vm10, v8, v0;
	v4 =	vadd.f32 v4, v7  }
0x222: {  	vm12 =	veq.s32 v2, $0x4;
	v3 =	vsel vm1, v3, v61;
	v0 =	vsel vm11, v62, v0  }
0x223: {  	vm13 =	veq.s32 v2, $0x5;
	v0 =	vsel vm12, v3, v0;
	v63 =	vadd.f32 v4, v60  }
0x224: {  	vm14 =	veq.s32 v2, $0x6;
	v0 =	vsel vm13, v5, v0  }
0x225: {  	vm15 =	veq.s32 v2, $0x7;
	v0 =	vsel vm14, v63, v0  }
0x226: {  	v0 =	vsel vm15, v1, v0  }
0x227: {  	[tilespmem:$0x11300] =	vst v0  }
0x228: {  	[hbm4b:s1+s4] =	stream.linear.scatter [tilespmem:s5], [sflag:$0x8], $0x80, $0x38;
	[tilespmem:$0x16B10] =	vst v63  }
0x229: {  	_ =	swait.ge [sflag:s3], $0x80  }
0x22a: {  	[sflag:s3] =	ssyncset.done $0x0  }
0x22b: {  	[sflag:s3] =	ssyncadd.s32 $0xFFFFFF80  }
0x22c: {  	_ =	sfence.sel $0x180000  }
0x22d: {  	[bflag:$0x0] =	sbarrier.arrive $0xFFFF  }
0x22e: {  	_ =	strace $0x90000047  }
0x22f: {  	s0 =	sadd.s32 $0x100000, s0;
	[bflag:$0x2] =	sbarrier.arrive $0xFFFF  }
0x230: {  	[sflag:s0] =	ssyncadd.tile.s32 $0x1;
	_ =	shalt  }
.LBB2_11:
.Ltmp9:
0x231: {  	(pc) =	sbr.rel .LBB2_15-.Ltmp9, $3  }
0x232: {  	_ =	sdelay $0x1  }
0x233: {  	v12 =	vimm.f32 $0.0e+00  }
0x234: {  	v15 =	vimm.f32 $0.0e+00;
	v16 =	vimm.f32 $0.0e+00;
	v18 =	vimm.f32 $0.0e+00  }
.LBB2_13:
.Ltmp10:
0x235: {  	(pc) =	sbr.rel .LBB2_15-.Ltmp10, $3  }
0x236: {  	_ =	sdelay $0x1  }
0x237: {  	v12 =	vimm.f32 $0.0e+00  }
0x238: {  	v15 =	vimm.f32 $0.0e+00;
	v16 =	vimm.f32 $0.0e+00;
	v18 =	vimm.f32 $0.0e+00  }
.Lfunc_end2:
_tile_overlayer_lowered:
.L_overlay_start_2:
0x239: {  	(tag) =	ssettag $0x2  }
0x23a: {  	s0 =	rddreg [dreg:$0x0];
	s2 =	stileid.u32  }
0x23b: {  	s1 =	rddreg [dreg:$0x1];
	p0 =	sne.s32 s2, $0x0  }
0x23c: {  	s3 =	rddreg [dreg:$0x2];
	[bflag:$0x3] =	sbarrier.arrive $0xFFFF;
	s2 =	simm.s32 @!p0 $0x1C08  }
0x23d: {  	[timem:s3], [sflag:s2] =	dma.local @!p0 [hbm:s0], s1  }
0x23e: {  	s0 =	simm.s32 @!p0 $0x8  }
0x23f: {  	_ =	swait.ge @!p0 [sflag:s0], s1  }
0x240: {  	s1 =	ssub.s32 @!p0 $0x0, s1;
	[sflag:s0] =	ssyncset.done @!p0 $0x0  }
0x241: {  	[sflag:s0] =	ssyncadd.s32 @!p0 s1  }
0x242: {  	[bflag:$0x3] =	sbarrier.arrive $0xFFFF  }
0x243: {  	_ =	shalt  }

</sc_bundles>
